<compile_context>
chip_gen: v7x
topology: tpu7x:2x2x1
jax: 0.10.2.dev20260603
libtpu: 0.0.44.dev20260713+nightly
codegen_flags: <defaults>
</compile_context>

<pallas_src>
import functools

import jax
import jax.numpy as jnp
from jax import lax
from jax.experimental import pallas as pl
from jax.experimental.pallas import tpu as pltpu
from jax.experimental.pallas import tpu_sc as plsc

N = 10000
E = 320000
IN = 128
HID = 128
OUT = 64

NC = 2
NS = 16
NW = NC * NS
CH = 64
NPAD = 10240
ROWS_PER_TILE = NPAD // NS
NCHUNK = 158
EPAD = NW * NCHUNK * CH
DW = 128

_sc_mesh = plsc.VectorSubcoreMesh(
    core_axis_name="c", subcore_axis_name="s", num_cores=NC, num_subcores=NS
)




@functools.partial(
    pl.kernel,
    out_type=jax.ShapeDtypeStruct((NC, NPAD, DW), jnp.float32),
    mesh=_sc_mesh,
    scratch_types=[
        pltpu.VMEM((NCHUNK + 1, 2 * CH), jnp.int32),
        pltpu.VMEM((CH, DW), jnp.float32),
        pltpu.VMEM_SHARED((NPAD, DW), jnp.float32),
    ],
)
def _deg_kernel(edges, ones_hbm, zeros_hbm, out, ei, ones_v, acc):
    cid = lax.axis_index("c")
    sid = lax.axis_index("s")
    wid = cid * NS + sid
    pltpu.sync_copy(zeros_hbm, acc.at[pl.ds(sid * ROWS_PER_TILE, ROWS_PER_TILE)])
    pltpu.sync_copy(ones_hbm, ones_v)
    pltpu.sync_copy(edges.at[wid], ei)
    plsc.subcore_barrier()

    def body(k, carry):
        pltpu.sync_copy(ones_v, acc.at[ei.at[k, pl.ds(CH, CH)]], add=True)
        return carry

    lax.fori_loop(0, NCHUNK, body, 0)
    plsc.subcore_barrier()
    sl = pl.ds(sid * ROWS_PER_TILE, ROWS_PER_TILE)
    pltpu.sync_copy(acc.at[sl], out.at[cid, sl])


@functools.partial(
    pl.kernel,
    out_type=jax.ShapeDtypeStruct((NC, NPAD, HID), jnp.float32),
    mesh=_sc_mesh,
    scratch_types=[
        pltpu.VMEM((NCHUNK + 1, 2 * CH), jnp.int32),
        pltpu.VMEM((CH, HID), jnp.float32),
        pltpu.VMEM((CH, HID), jnp.float32),
        pltpu.VMEM_SHARED((NPAD, HID), jnp.float32),
        pltpu.SemaphoreType.DMA,
        pltpu.SemaphoreType.DMA,
    ],
)
def _agg_kernel(table, edges, zeros_hbm, out, ei, ra, rb, acc, sa, sb):
    cid = lax.axis_index("c")
    sid = lax.axis_index("s")
    wid = cid * NS + sid
    pltpu.sync_copy(zeros_hbm, acc.at[pl.ds(sid * ROWS_PER_TILE, ROWS_PER_TILE)])
    pltpu.sync_copy(edges.at[wid], ei)
    plsc.subcore_barrier()

    def _src(k):
        return ei.at[k, pl.ds(0, CH)]

    def _dst(k):
        return ei.at[k, pl.ds(CH, CH)]

    pltpu.async_copy(table.at[_src(0)], ra, sa)

    def body(j, carry):
        k = 2 * j
        cpb = pltpu.async_copy(table.at[_src(k + 1)], rb, sb)
        pltpu.make_async_copy(table.at[_src(k)], ra, sa).wait()
        pltpu.sync_copy(ra, acc.at[_dst(k)], add=True)
        pltpu.async_copy(table.at[_src(k + 2)], ra, sa)
        cpb.wait()
        pltpu.sync_copy(rb, acc.at[_dst(k + 1)], add=True)
        return carry

    lax.fori_loop(0, NCHUNK // 2, body, 0)
    pltpu.make_async_copy(table.at[_src(NCHUNK)], ra, sa).wait()
    plsc.subcore_barrier()
    sl = pl.ds(sid * ROWS_PER_TILE, ROWS_PER_TILE)
    pltpu.sync_copy(acc.at[sl], out.at[cid, sl])



_R = 1024
_GRID = NPAD // _R


def _row_spec(w):
    return pl.BlockSpec((_R, w), lambda i: (i, 0))


def _full_spec(shape):
    nd = len(shape)
    return pl.BlockSpec(shape, lambda i: (0,) * nd)


def _dinv(d0, d1):
    return lax.rsqrt(1.0 + d0[:, :1] + d1[:, :1])


def _tc1_body(x_ref, we_ref, be_ref, w1_ref, ego_ref, g1_ref):
    xb = x_ref[...]
    ego_ref[...] = jnp.maximum(
        jnp.dot(xb, we_ref[...], preferred_element_type=jnp.float32) + be_ref[...],
        0.0,
    )
    g1_ref[...] = jnp.dot(xb, w1_ref[...], preferred_element_type=jnp.float32)


def _tc2_body(d0_ref, d1_ref, g1_ref, g1s_ref):
    g1s_ref[...] = _dinv(d0_ref[...], d1_ref[...]) * g1_ref[...]


def _tc3_body(d0_ref, d1_ref, a0_ref, a1_ref, g1s_ref, b1_ref, w2_ref,
              h1_ref, g2s_ref):
    dinv = _dinv(d0_ref[...], d1_ref[...])
    s1 = dinv * (a0_ref[...] + a1_ref[...] + g1s_ref[...]) + b1_ref[...]
    h1 = jnp.maximum(s1, 0.0)
    h1_ref[...] = h1
    g2s_ref[...] = dinv * jnp.dot(h1, w2_ref[...], preferred_element_type=jnp.float32)


def _tc4_body(d0_ref, d1_ref, a0_ref, a1_ref, g2s_ref, b2_ref,
              ego_ref, h1_ref, wce_ref, wc1_ref, wc2_ref, bc_ref, out_ref):
    dinv = _dinv(d0_ref[...], d1_ref[...])
    s2 = dinv * (a0_ref[...] + a1_ref[...] + g2s_ref[...]) + b2_ref[...]
    h2 = jnp.maximum(s2, 0.0)
    acc = jnp.dot(ego_ref[...], wce_ref[...], preferred_element_type=jnp.float32)
    acc += jnp.dot(h1_ref[...], wc1_ref[...], preferred_element_type=jnp.float32)
    acc += jnp.dot(h2, wc2_ref[...], preferred_element_type=jnp.float32)
    out_ref[...] = acc + bc_ref[...]


def _out2(w):
    return jax.ShapeDtypeStruct((NPAD, w), jnp.float32)




def kernel(x, edge_index, W_ego, b_ego, W1, b1, W2, b2, Wc, bc):
    f32 = jnp.float32
    x_pad = jnp.pad(x, ((0, NPAD - N), (0, 0)))

    pad_e = EPAD - E
    src = jnp.concatenate([edge_index[0], jnp.full((pad_e,), NPAD - 1, jnp.int32)])
    dst = jnp.concatenate([edge_index[1], jnp.full((pad_e,), NPAD - 1, jnp.int32)])
    dummy = jnp.full((NW, 1, 2 * CH), NPAD - 1, jnp.int32)
    packed = jnp.concatenate(
        [src.reshape(NW, NCHUNK, CH), dst.reshape(NW, NCHUNK, CH)], axis=2
    )
    edges = jnp.concatenate([packed, dummy], axis=1)

    ones_d = jnp.ones((CH, DW), f32)
    zeros_d = jnp.zeros((ROWS_PER_TILE, DW), f32)

    deg_parts = _deg_kernel(edges, ones_d, zeros_d)
    d0, d1 = deg_parts[0], deg_parts[1]

    ego, g1 = pl.pallas_call(
        _tc1_body,
        grid=(_GRID,),
        in_specs=[
            _row_spec(IN),
            _full_spec((IN, HID)),
            _full_spec((1, HID)),
            _full_spec((IN, HID)),
        ],
        out_specs=[_row_spec(HID), _row_spec(HID)],
        out_shape=[_out2(HID), _out2(HID)],
    )(x_pad, W_ego, b_ego.reshape(1, HID), W1)

    g1s = pl.pallas_call(
        _tc2_body,
        grid=(_GRID,),
        in_specs=[_row_spec(DW), _row_spec(DW), _row_spec(HID)],
        out_specs=_row_spec(HID),
        out_shape=_out2(HID),
    )(d0, d1, g1)

    agg1 = _agg_kernel(g1s, edges, zeros_d)

    h1, g2s = pl.pallas_call(
        _tc3_body,
        grid=(_GRID,),
        in_specs=[
            _row_spec(DW), _row_spec(DW),
            _row_spec(HID), _row_spec(HID), _row_spec(HID),
            _full_spec((1, HID)), _full_spec((HID, HID)),
        ],
        out_specs=[_row_spec(HID), _row_spec(HID)],
        out_shape=[_out2(HID), _out2(HID)],
    )(d0, d1, agg1[0], agg1[1], g1s, b1.reshape(1, HID), W2)

    agg2 = _agg_kernel(g2s, edges, zeros_d)

    out = pl.pallas_call(
        _tc4_body,
        grid=(_GRID,),
        in_specs=[
            _row_spec(DW), _row_spec(DW),
            _row_spec(HID), _row_spec(HID), _row_spec(HID),
            _full_spec((1, HID)),
            _row_spec(HID), _row_spec(HID),
            _full_spec((HID, OUT)), _full_spec((HID, OUT)), _full_spec((HID, OUT)),
            _full_spec((1, OUT)),
        ],
        out_specs=_row_spec(OUT),
        out_shape=_out2(OUT),
    )(
        d0, d1, agg2[0], agg2[1], g2s, b2.reshape(1, HID),
        ego, h1, Wc[:HID], Wc[HID:2 * HID], Wc[2 * HID:], bc.reshape(1, OUT),
    )

    return out[:N]

# --- scband reference (transcript-rebuilt; emitter-appended) ---
"""Pipeline reference for scband-h2-gcn-26474178413288 (READ-ONLY COPY).

The authoritative reference and input builder live on the scoring server;
editing this copy changes nothing except your own understanding.
"""

import jax, jax.numpy as jnp
import numpy as np

N = 10000
E = 320000
IN = 128
HID = 128
OUT = 64


def setup_inputs(seed: int = 0) -> dict:
    key = jax.random.key(seed)
    ks = jax.random.split(key, 12)
    x = jax.random.normal(ks[0], (N, IN), dtype=jnp.float32)
    edge_index = jax.random.randint(ks[1], (2, E), 0, N, dtype=jnp.int32)
    s = 0.05
    W_ego = jax.random.normal(ks[2], (IN, HID), dtype=jnp.float32) * s
    b_ego = jnp.zeros((HID,), dtype=jnp.float32)
    W1 = jax.random.normal(ks[3], (IN, HID), dtype=jnp.float32) * s
    b1 = jnp.zeros((HID,), dtype=jnp.float32)
    W2 = jax.random.normal(ks[4], (HID, HID), dtype=jnp.float32) * s
    b2 = jnp.zeros((HID,), dtype=jnp.float32)
    Wc = jax.random.normal(ks[5], (HID * 3, OUT), dtype=jnp.float32) * s
    bc = jnp.zeros((OUT,), dtype=jnp.float32)
    return {"x": x, "edge_index": edge_index, "W_ego": W_ego, "b_ego": b_ego,
            "W1": W1, "b1": b1, "W2": W2, "b2": b2, "Wc": Wc, "bc": bc}


def _gcn_conv(x, edge_index, W, b):
    # PyG-style GCNConv: add self-loops, symmetric normalization, scatter-add aggregate, bias after.
    n = x.shape[0]
    h = x @ W
    src = edge_index[0]
    dst = edge_index[1]
    loop = jnp.arange(n, dtype=edge_index.dtype)
    src = jnp.concatenate([src, loop])
    dst = jnp.concatenate([dst, loop])
    deg = jnp.zeros((n,), dtype=x.dtype).at[dst].add(1.0)
    dinv = jnp.where(deg > 0, jax.lax.rsqrt(jnp.maximum(deg, 1e-12)), 0.0)
    norm = dinv[src] * dinv[dst]
    msgs = h[src] * norm[:, None]
    out = jnp.zeros((n, h.shape[1]), dtype=h.dtype).at[dst].add(msgs)
    return out + b


def reference(x, edge_index, W_ego, b_ego, W1, b1, W2, b2, Wc, bc):
    parts = [jax.nn.relu(x @ W_ego + b_ego)]
    h = x
    for (W, b) in ((W1, b1), (W2, b2)):
        h = jax.nn.relu(_gcn_conv(h, edge_index, W, b))
        parts.append(h)
    out = jnp.concatenate(parts, axis=-1)
    # eval mode: dropout is identity
    return out @ Wc + bc

if __name__ == "__main__":
    import jax
    _d = setup_inputs()
    print(jax.jit(kernel)(*tuple(_d.values())))

</pallas_src>

<mosaic_0001>
#map = affine_map<(d0, d1) -> (0, 0)>
#map1 = affine_map<(d0, d1) -> (0, 0, 0)>
module attributes {stable_mosaic.version = 14 : i64} {
  func.func @_agg_kernel(%arg0: i32, %arg1: i32, %arg2: memref<10240x128xf32, #tpu.memory_space<hbm>>, %arg3: memref<32x159x128xi32, #tpu.memory_space<hbm>>, %arg4: memref<640x128xf32, #tpu.memory_space<hbm>>, %arg5: memref<2x10240x128xf32, #tpu.memory_space<hbm>>, %arg6: memref<159x128xi32, #tpu.memory_space<vmem>>, %arg7: memref<64x128xf32, #tpu.memory_space<vmem>>, %arg8: memref<64x128xf32, #tpu.memory_space<vmem>>, %arg9: memref<10240x128xf32, #tpu.memory_space<vmem_shared>>, %arg10: memref<!tpu.dma_semaphore, #tpu.memory_space<semaphore_mem>>, %arg11: memref<!tpu.dma_semaphore, #tpu.memory_space<semaphore_mem>>) attributes {dimension_semantics = [#tpu.dimension_semantics<core_parallel>, #tpu.dimension_semantics<subcore_parallel>], iteration_bounds = array<i64: 2, 16>, scalar_prefetch = 0 : i64, scratch_operands = 6 : i64, tpu.core_type = #tpu.core_type<sc_vector_subcore>, window_params = [{transform_indices = #map}, {transform_indices = #map1}, {transform_indices = #map}, {transform_indices = #map1}]} {
    %mul3A = arith.constant 16 : i32
    %mul3A_0 = arith.muli %arg0, %mul3A : i32
    %add3A = arith.addi %mul3A_0, %arg1 : i32
    %mul3A_1 = arith.constant 640 : i32
    %mul3A_2 = arith.muli %arg1, %mul3A_1 : i32
    "tpu.region"() ({
      %run_scoped3A = tpu.sem_alloc : memref<!tpu.dma_semaphore, #tpu.memory_space<semaphore_mem>>
      %dma_start3A_23 = arith.constant 0 : i32
      %dma_start3A_24 = tpu.memref_slice %arg9[%mul3A_2, %dma_start3A_23] : memref<10240x128xf32, #tpu.memory_space<vmem_shared>> -> memref<640x128xf32, #tpu.memory_space<vmem_shared>>
      tpu.enqueue_dma source(%arg4 : memref<640x128xf32, #tpu.memory_space<hbm>>) target(%dma_start3A_24 : memref<640x128xf32, #tpu.memory_space<vmem_shared>>) target_semaphore(%run_scoped3A : memref<!tpu.dma_semaphore, #tpu.memory_space<semaphore_mem>>)
      %dma_wait3A_25 = arith.constant 0 : i32
      %dma_wait3A_26 = tpu.memref_slice %arg9[%mul3A_2, %dma_wait3A_25] : memref<10240x128xf32, #tpu.memory_space<vmem_shared>> -> memref<640x128xf32, #tpu.memory_space<vmem_shared>>
      tpu.wait_dma2 semaphore(%run_scoped3A : memref<!tpu.dma_semaphore, #tpu.memory_space<semaphore_mem>>) src(%arg4 : memref<640x128xf32, #tpu.memory_space<hbm>>) dst(%dma_wait3A_26 : memref<640x128xf32, #tpu.memory_space<vmem_shared>>)
      tpu.yield
    }) : () -> ()
    "tpu.region"() ({
      %run_scoped3A = tpu.sem_alloc : memref<!tpu.dma_semaphore, #tpu.memory_space<semaphore_mem>>
      %dma_start3A_23 = arith.constant 0 : i32
      %dma_start3A_24 = arith.constant 0 : i32
      %dma_start3A_25 = tpu.memref_slice %arg3[%add3A, %dma_start3A_23, %dma_start3A_24] : memref<32x159x128xi32, #tpu.memory_space<hbm>> -> memref<1x159x128xi32, #tpu.memory_space<hbm>>
      %dma_start3A_26 = tpu.memref_squeeze %dma_start3A_25 : memref<1x159x128xi32, #tpu.memory_space<hbm>> -> memref<159x128xi32, #tpu.memory_space<hbm>>
      %dma_start3A_27 = arith.constant 0 : i32
      %dma_start3A_28 = arith.constant 0 : i32
      %dma_start3A_29 = tpu.memref_slice %arg3[%add3A, %dma_start3A_27, %dma_start3A_28] : memref<32x159x128xi32, #tpu.memory_space<hbm>> -> memref<1x159x128xi32, #tpu.memory_space<hbm>>
      %dma_start3A_30 = tpu.memref_squeeze %dma_start3A_29 : memref<1x159x128xi32, #tpu.memory_space<hbm>> -> memref<159x128xi32, #tpu.memory_space<hbm>>
      tpu.enqueue_dma source(%dma_start3A_30 : memref<159x128xi32, #tpu.memory_space<hbm>>) target(%arg6 : memref<159x128xi32, #tpu.memory_space<vmem>>) target_semaphore(%run_scoped3A : memref<!tpu.dma_semaphore, #tpu.memory_space<semaphore_mem>>)
      %dma_wait3A_31 = arith.constant 0 : i32
      %dma_wait3A_32 = arith.constant 0 : i32
      %dma_wait3A_33 = tpu.memref_slice %arg3[%add3A, %dma_wait3A_31, %dma_wait3A_32] : memref<32x159x128xi32, #tpu.memory_space<hbm>> -> memref<1x159x128xi32, #tpu.memory_space<hbm>>
      %dma_wait3A_34 = tpu.memref_squeeze %dma_wait3A_33 : memref<1x159x128xi32, #tpu.memory_space<hbm>> -> memref<159x128xi32, #tpu.memory_space<hbm>>
      %dma_wait3A_35 = arith.constant 0 : i32
      %dma_wait3A_36 = arith.constant 0 : i32
      %dma_wait3A_37 = tpu.memref_slice %arg3[%add3A, %dma_wait3A_35, %dma_wait3A_36] : memref<32x159x128xi32, #tpu.memory_space<hbm>> -> memref<1x159x128xi32, #tpu.memory_space<hbm>>
      %dma_wait3A_38 = tpu.memref_squeeze %dma_wait3A_37 : memref<1x159x128xi32, #tpu.memory_space<hbm>> -> memref<159x128xi32, #tpu.memory_space<hbm>>
      tpu.wait_dma2 semaphore(%run_scoped3A : memref<!tpu.dma_semaphore, #tpu.memory_space<semaphore_mem>>) src(%dma_wait3A_38 : memref<159x128xi32, #tpu.memory_space<hbm>>) dst(%arg6 : memref<159x128xi32, #tpu.memory_space<vmem>>)
      tpu.yield
    }) : () -> ()
    %barrier3A = arith.constant 0 : index
    tpu.barrier barrier_id(%barrier3A)
    %dma_start3A = arith.constant 0 : i32
    %dma_start3A_3 = arith.constant 0 : i32
    %dma_start3A_4 = tpu.memref_slice %arg6[%dma_start3A, %dma_start3A_3] : memref<159x128xi32, #tpu.memory_space<vmem>> -> memref<1x64xi32, #tpu.memory_space<vmem>>
    %dma_start3A_5 = tpu.memref_squeeze %dma_start3A_4 : memref<1x64xi32, #tpu.memory_space<vmem>> -> memref<64xi32, #tpu.memory_space<vmem>>
    %dma_start3A_6 = arith.constant 0 : i32
    %dma_start3A_7 = arith.constant 0 : i32
    %dma_start3A_8 = tpu.memref_slice %arg2[%dma_start3A_6, %dma_start3A_7] : memref<10240x128xf32, #tpu.memory_space<hbm>> -> memref<10240x128xf32, #tpu.memory_space<hbm>>
    tpu.enqueue_indirect_dma source(%dma_start3A_8 : memref<10240x128xf32, #tpu.memory_space<hbm>>) target(%arg7 : memref<64x128xf32, #tpu.memory_space<vmem>>) offsets(%dma_start3A_5 : memref<64xi32, #tpu.memory_space<vmem>>) semaphore(%arg10 : memref<!tpu.dma_semaphore, #tpu.memory_space<semaphore_mem>>)
    %scan3A = arith.constant 0 : i32
    %scan3A_9 = arith.constant 0 : i32
    %scan3A_10 = arith.constant 79 : i32
    %scan3A_11 = arith.addi %scan3A_9, %scan3A_10 : i32
    %scan3A_12 = arith.constant 1 : i32
    scf.for %scan3A_23 = %scan3A_9 to %scan3A_11 step %scan3A_12  : i32 {
      %mul3A_24 = arith.constant 2 : i32
      %mul3A_25 = arith.muli %mul3A_24, %scan3A_23 : i32
      %add3A_26 = arith.constant 1 : i32
      %add3A_27 = arith.addi %mul3A_25, %add3A_26 : i32
      %dma_start3A_28 = arith.constant 0 : i32
      %dma_start3A_29 = tpu.memref_slice %arg6[%add3A_27, %dma_start3A_28] : memref<159x128xi32, #tpu.memory_space<vmem>> -> memref<1x64xi32, #tpu.memory_space<vmem>>
      %dma_start3A_30 = tpu.memref_squeeze %dma_start3A_29 : memref<1x64xi32, #tpu.memory_space<vmem>> -> memref<64xi32, #tpu.memory_space<vmem>>
      %dma_start3A_31 = arith.constant 0 : i32
      %dma_start3A_32 = arith.constant 0 : i32
      %dma_start3A_33 = tpu.memref_slice %arg2[%dma_start3A_31, %dma_start3A_32] : memref<10240x128xf32, #tpu.memory_space<hbm>> -> memref<10240x128xf32, #tpu.memory_space<hbm>>
      tpu.enqueue_indirect_dma source(%dma_start3A_33 : memref<10240x128xf32, #tpu.memory_space<hbm>>) target(%arg8 : memref<64x128xf32, #tpu.memory_space<vmem>>) offsets(%dma_start3A_30 : memref<64xi32, #tpu.memory_space<vmem>>) semaphore(%arg11 : memref<!tpu.dma_semaphore, #tpu.memory_space<semaphore_mem>>)
      %dma_wait3A_34 = arith.constant 0 : i32
      %dma_wait3A_35 = tpu.memref_slice %arg6[%mul3A_25, %dma_wait3A_34] : memref<159x128xi32, #tpu.memory_space<vmem>> -> memref<1x64xi32, #tpu.memory_space<vmem>>
      %dma_wait3A_36 = tpu.memref_squeeze %dma_wait3A_35 : memref<1x64xi32, #tpu.memory_space<vmem>> -> memref<64xi32, #tpu.memory_space<vmem>>
      %dma_wait3A_37 = arith.constant 0 : i32
      %dma_wait3A_38 = arith.constant 0 : i32
      %dma_wait3A_39 = tpu.memref_slice %arg2[%dma_wait3A_37, %dma_wait3A_38] : memref<10240x128xf32, #tpu.memory_space<hbm>> -> memref<10240x128xf32, #tpu.memory_space<hbm>>
      tpu.wait_indirect_dma semaphore(%arg10 : memref<!tpu.dma_semaphore, #tpu.memory_space<semaphore_mem>>) src(%dma_wait3A_39 : memref<10240x128xf32, #tpu.memory_space<hbm>>) dst(%arg7 : memref<64x128xf32, #tpu.memory_space<vmem>>)
      "tpu.region"() ({
        %run_scoped3A = tpu.sem_alloc : memref<!tpu.dma_semaphore, #tpu.memory_space<semaphore_mem>>
        %dma_start3A_56 = arith.constant 64 : i32
        %dma_start3A_57 = tpu.memref_slice %arg6[%mul3A_25, %dma_start3A_56] : memref<159x128xi32, #tpu.memory_space<vmem>> -> memref<1x64xi32, #tpu.memory_space<vmem>>
        %dma_start3A_58 = tpu.memref_squeeze %dma_start3A_57 : memref<1x64xi32, #tpu.memory_space<vmem>> -> memref<64xi32, #tpu.memory_space<vmem>>
        %dma_start3A_59 = arith.constant 0 : i32
        %dma_start3A_60 = arith.constant 0 : i32
        %dma_start3A_61 = tpu.memref_slice %arg9[%dma_start3A_59, %dma_start3A_60] : memref<10240x128xf32, #tpu.memory_space<vmem_shared>> -> memref<10240x128xf32, #tpu.memory_space<vmem_shared>>
        tpu.enqueue_indirect_dma source(%arg7 : memref<64x128xf32, #tpu.memory_space<vmem>>) target(%dma_start3A_61 : memref<10240x128xf32, #tpu.memory_space<vmem_shared>>) offsets(%dma_start3A_58 : memref<64xi32, #tpu.memory_space<vmem>>) semaphore(%run_scoped3A : memref<!tpu.dma_semaphore, #tpu.memory_space<semaphore_mem>>) {add = true}
        %dma_wait3A_62 = arith.constant 64 : i32
        %dma_wait3A_63 = tpu.memref_slice %arg6[%mul3A_25, %dma_wait3A_62] : memref<159x128xi32, #tpu.memory_space<vmem>> -> memref<1x64xi32, #tpu.memory_space<vmem>>
        %dma_wait3A_64 = tpu.memref_squeeze %dma_wait3A_63 : memref<1x64xi32, #tpu.memory_space<vmem>> -> memref<64xi32, #tpu.memory_space<vmem>>
        %dma_wait3A_65 = arith.constant 0 : i32
        %dma_wait3A_66 = arith.constant 0 : i32
        %dma_wait3A_67 = tpu.memref_slice %arg9[%dma_wait3A_65, %dma_wait3A_66] : memref<10240x128xf32, #tpu.memory_space<vmem_shared>> -> memref<10240x128xf32, #tpu.memory_space<vmem_shared>>
        tpu.wait_indirect_dma semaphore(%run_scoped3A : memref<!tpu.dma_semaphore, #tpu.memory_space<semaphore_mem>>) src(%arg7 : memref<64x128xf32, #tpu.memory_space<vmem>>) dst(%dma_wait3A_67 : memref<10240x128xf32, #tpu.memory_space<vmem_shared>>)
        tpu.yield
      }) : () -> ()
      %add3A_40 = arith.constant 2 : i32
      %add3A_41 = arith.addi %mul3A_25, %add3A_40 : i32
      %dma_start3A_42 = arith.constant 0 : i32
      %dma_start3A_43 = tpu.memref_slice %arg6[%add3A_41, %dma_start3A_42] : memref<159x128xi32, #tpu.memory_space<vmem>> -> memref<1x64xi32, #tpu.memory_space<vmem>>
      %dma_start3A_44 = tpu.memref_squeeze %dma_start3A_43 : memref<1x64xi32, #tpu.memory_space<vmem>> -> memref<64xi32, #tpu.memory_space<vmem>>
      %dma_start3A_45 = arith.constant 0 : i32
      %dma_start3A_46 = arith.constant 0 : i32
      %dma_start3A_47 = tpu.memref_slice %arg2[%dma_start3A_45, %dma_start3A_46] : memref<10240x128xf32, #tpu.memory_space<hbm>> -> memref<10240x128xf32, #tpu.memory_space<hbm>>
      tpu.enqueue_indirect_dma source(%dma_start3A_47 : memref<10240x128xf32, #tpu.memory_space<hbm>>) target(%arg7 : memref<64x128xf32, #tpu.memory_space<vmem>>) offsets(%dma_start3A_44 : memref<64xi32, #tpu.memory_space<vmem>>) semaphore(%arg10 : memref<!tpu.dma_semaphore, #tpu.memory_space<semaphore_mem>>)
      %dma_wait3A_48 = arith.constant 0 : i32
      %dma_wait3A_49 = tpu.memref_slice %arg6[%add3A_27, %dma_wait3A_48] : memref<159x128xi32, #tpu.memory_space<vmem>> -> memref<1x64xi32, #tpu.memory_space<vmem>>
      %dma_wait3A_50 = tpu.memref_squeeze %dma_wait3A_49 : memref<1x64xi32, #tpu.memory_space<vmem>> -> memref<64xi32, #tpu.memory_space<vmem>>
      %dma_wait3A_51 = arith.constant 0 : i32
      %dma_wait3A_52 = arith.constant 0 : i32
      %dma_wait3A_53 = tpu.memref_slice %arg2[%dma_wait3A_51, %dma_wait3A_52] : memref<10240x128xf32, #tpu.memory_space<hbm>> -> memref<10240x128xf32, #tpu.memory_space<hbm>>
      tpu.wait_indirect_dma semaphore(%arg11 : memref<!tpu.dma_semaphore, #tpu.memory_space<semaphore_mem>>) src(%dma_wait3A_53 : memref<10240x128xf32, #tpu.memory_space<hbm>>) dst(%arg8 : memref<64x128xf32, #tpu.memory_space<vmem>>)
      %add3A_54 = arith.constant 1 : i32
      %add3A_55 = arith.addi %mul3A_25, %add3A_54 : i32
      "tpu.region"() ({
        %run_scoped3A = tpu.sem_alloc : memref<!tpu.dma_semaphore, #tpu.memory_space<semaphore_mem>>
        %dma_start3A_56 = arith.constant 64 : i32
        %dma_start3A_57 = tpu.memref_slice %arg6[%add3A_55, %dma_start3A_56] : memref<159x128xi32, #tpu.memory_space<vmem>> -> memref<1x64xi32, #tpu.memory_space<vmem>>
        %dma_start3A_58 = tpu.memref_squeeze %dma_start3A_57 : memref<1x64xi32, #tpu.memory_space<vmem>> -> memref<64xi32, #tpu.memory_space<vmem>>
        %dma_start3A_59 = arith.constant 0 : i32
        %dma_start3A_60 = arith.constant 0 : i32
        %dma_start3A_61 = tpu.memref_slice %arg9[%dma_start3A_59, %dma_start3A_60] : memref<10240x128xf32, #tpu.memory_space<vmem_shared>> -> memref<10240x128xf32, #tpu.memory_space<vmem_shared>>
        tpu.enqueue_indirect_dma source(%arg8 : memref<64x128xf32, #tpu.memory_space<vmem>>) target(%dma_start3A_61 : memref<10240x128xf32, #tpu.memory_space<vmem_shared>>) offsets(%dma_start3A_58 : memref<64xi32, #tpu.memory_space<vmem>>) semaphore(%run_scoped3A : memref<!tpu.dma_semaphore, #tpu.memory_space<semaphore_mem>>) {add = true}
        %dma_wait3A_62 = arith.constant 64 : i32
        %dma_wait3A_63 = tpu.memref_slice %arg6[%add3A_55, %dma_wait3A_62] : memref<159x128xi32, #tpu.memory_space<vmem>> -> memref<1x64xi32, #tpu.memory_space<vmem>>
        %dma_wait3A_64 = tpu.memref_squeeze %dma_wait3A_63 : memref<1x64xi32, #tpu.memory_space<vmem>> -> memref<64xi32, #tpu.memory_space<vmem>>
        %dma_wait3A_65 = arith.constant 0 : i32
        %dma_wait3A_66 = arith.constant 0 : i32
        %dma_wait3A_67 = tpu.memref_slice %arg9[%dma_wait3A_65, %dma_wait3A_66] : memref<10240x128xf32, #tpu.memory_space<vmem_shared>> -> memref<10240x128xf32, #tpu.memory_space<vmem_shared>>
        tpu.wait_indirect_dma semaphore(%run_scoped3A : memref<!tpu.dma_semaphore, #tpu.memory_space<semaphore_mem>>) src(%arg8 : memref<64x128xf32, #tpu.memory_space<vmem>>) dst(%dma_wait3A_67 : memref<10240x128xf32, #tpu.memory_space<vmem_shared>>)
        tpu.yield
      }) : () -> ()
    }
    %scan3A_13 = arith.constant 79 : i32
    %dma_wait3A = arith.constant 158 : i32
    %dma_wait3A_14 = arith.constant 0 : i32
    %dma_wait3A_15 = tpu.memref_slice %arg6[%dma_wait3A, %dma_wait3A_14] : memref<159x128xi32, #tpu.memory_space<vmem>> -> memref<1x64xi32, #tpu.memory_space<vmem>>
    %dma_wait3A_16 = tpu.memref_squeeze %dma_wait3A_15 : memref<1x64xi32, #tpu.memory_space<vmem>> -> memref<64xi32, #tpu.memory_space<vmem>>
    %dma_wait3A_17 = arith.constant 0 : i32
    %dma_wait3A_18 = arith.constant 0 : i32
    %dma_wait3A_19 = tpu.memref_slice %arg2[%dma_wait3A_17, %dma_wait3A_18] : memref<10240x128xf32, #tpu.memory_space<hbm>> -> memref<10240x128xf32, #tpu.memory_space<hbm>>
    tpu.wait_indirect_dma semaphore(%arg10 : memref<!tpu.dma_semaphore, #tpu.memory_space<semaphore_mem>>) src(%dma_wait3A_19 : memref<10240x128xf32, #tpu.memory_space<hbm>>) dst(%arg7 : memref<64x128xf32, #tpu.memory_space<vmem>>)
    %barrier3A_20 = arith.constant 0 : index
    tpu.barrier barrier_id(%barrier3A_20)
    %mul3A_21 = arith.constant 640 : i32
    %mul3A_22 = arith.muli %arg1, %mul3A_21 : i32
    "tpu.region"() ({
      %run_scoped3A = tpu.sem_alloc : memref<!tpu.dma_semaphore, #tpu.memory_space<semaphore_mem>>
      %dma_start3A_23 = arith.constant 0 : i32
      %dma_start3A_24 = tpu.memref_slice %arg5[%arg0, %mul3A_22, %dma_start3A_23] : memref<2x10240x128xf32, #tpu.memory_space<hbm>> -> memref<1x640x128xf32, #tpu.memory_space<hbm>>
      %dma_start3A_25 = tpu.memref_squeeze %dma_start3A_24 : memref<1x640x128xf32, #tpu.memory_space<hbm>> -> memref<640x128xf32, #tpu.memory_space<hbm>>
      %dma_start3A_26 = arith.constant 0 : i32
      %dma_start3A_27 = tpu.memref_slice %arg9[%mul3A_22, %dma_start3A_26] : memref<10240x128xf32, #tpu.memory_space<vmem_shared>> -> memref<640x128xf32, #tpu.memory_space<vmem_shared>>
      tpu.enqueue_dma source(%dma_start3A_27 : memref<640x128xf32, #tpu.memory_space<vmem_shared>>) target(%dma_start3A_25 : memref<640x128xf32, #tpu.memory_space<hbm>>) target_semaphore(%run_scoped3A : memref<!tpu.dma_semaphore, #tpu.memory_space<semaphore_mem>>)
      %dma_wait3A_28 = arith.constant 0 : i32
      %dma_wait3A_29 = tpu.memref_slice %arg5[%arg0, %mul3A_22, %dma_wait3A_28] : memref<2x10240x128xf32, #tpu.memory_space<hbm>> -> memref<1x640x128xf32, #tpu.memory_space<hbm>>
      %dma_wait3A_30 = tpu.memref_squeeze %dma_wait3A_29 : memref<1x640x128xf32, #tpu.memory_space<hbm>> -> memref<640x128xf32, #tpu.memory_space<hbm>>
      %dma_wait3A_31 = arith.constant 0 : i32
      %dma_wait3A_32 = tpu.memref_slice %arg9[%mul3A_22, %dma_wait3A_31] : memref<10240x128xf32, #tpu.memory_space<vmem_shared>> -> memref<640x128xf32, #tpu.memory_space<vmem_shared>>
      tpu.wait_dma2 semaphore(%run_scoped3A : memref<!tpu.dma_semaphore, #tpu.memory_space<semaphore_mem>>) src(%dma_wait3A_32 : memref<640x128xf32, #tpu.memory_space<vmem_shared>>) dst(%dma_wait3A_30 : memref<640x128xf32, #tpu.memory_space<hbm>>)
      tpu.yield
    }) : () -> ()
    return
  }
}

#map = affine_map<(d0, d1) -> (0, 0)>
#map1 = affine_map<(d0, d1) -> (0, 0, 0)>
module attributes {stable_mosaic.version = 14 : i64} {
  func.func @_agg_kernel(%arg0: i32, %arg1: i32, %arg2: memref<10240x128xf32, #tpu.memory_space<hbm>>, %arg3: memref<32x159x128xi32, #tpu.memory_space<hbm>>, %arg4: memref<640x128xf32, #tpu.memory_space<hbm>>, %arg5: memref<2x10240x128xf32, #tpu.memory_space<hbm>>, %arg6: memref<159x128xi32, #tpu.memory_space<vmem>>, %arg7: memref<64x128xf32, #tpu.memory_space<vmem>>, %arg8: memref<64x128xf32, #tpu.memory_space<vmem>>, %arg9: memref<10240x128xf32, #tpu.memory_space<vmem_shared>>, %arg10: memref<!tpu.dma_semaphore, #tpu.memory_space<semaphore_mem>>, %arg11: memref<!tpu.dma_semaphore, #tpu.memory_space<semaphore_mem>>) attributes {dimension_semantics = [#tpu.dimension_semantics<core_parallel>, #tpu.dimension_semantics<subcore_parallel>], iteration_bounds = array<i64: 2, 16>, scalar_prefetch = 0 : i64, scratch_operands = 6 : i64, tpu.core_type = #tpu.core_type<sc_vector_subcore>, window_params = [{transform_indices = #map}, {transform_indices = #map1}, {transform_indices = #map}, {transform_indices = #map1}]} {
    %mul3A = arith.constant 16 : i32
    %mul3A_0 = arith.muli %arg0, %mul3A : i32
    %add3A = arith.addi %mul3A_0, %arg1 : i32
    %mul3A_1 = arith.constant 640 : i32
    %mul3A_2 = arith.muli %arg1, %mul3A_1 : i32
    "tpu.region"() ({
      %run_scoped3A = tpu.sem_alloc : memref<!tpu.dma_semaphore, #tpu.memory_space<semaphore_mem>>
      %dma_start3A_23 = arith.constant 0 : i32
      %dma_start3A_24 = tpu.memref_slice %arg9[%mul3A_2, %dma_start3A_23] : memref<10240x128xf32, #tpu.memory_space<vmem_shared>> -> memref<640x128xf32, #tpu.memory_space<vmem_shared>>
      tpu.enqueue_dma source(%arg4 : memref<640x128xf32, #tpu.memory_space<hbm>>) target(%dma_start3A_24 : memref<640x128xf32, #tpu.memory_space<vmem_shared>>) target_semaphore(%run_scoped3A : memref<!tpu.dma_semaphore, #tpu.memory_space<semaphore_mem>>)
      %dma_wait3A_25 = arith.constant 0 : i32
      %dma_wait3A_26 = tpu.memref_slice %arg9[%mul3A_2, %dma_wait3A_25] : memref<10240x128xf32, #tpu.memory_space<vmem_shared>> -> memref<640x128xf32, #tpu.memory_space<vmem_shared>>
      tpu.wait_dma2 semaphore(%run_scoped3A : memref<!tpu.dma_semaphore, #tpu.memory_space<semaphore_mem>>) src(%arg4 : memref<640x128xf32, #tpu.memory_space<hbm>>) dst(%dma_wait3A_26 : memref<640x128xf32, #tpu.memory_space<vmem_shared>>)
      tpu.yield
    }) : () -> ()
    "tpu.region"() ({
      %run_scoped3A = tpu.sem_alloc : memref<!tpu.dma_semaphore, #tpu.memory_space<semaphore_mem>>
      %dma_start3A_23 = arith.constant 0 : i32
      %dma_start3A_24 = arith.constant 0 : i32
      %dma_start3A_25 = tpu.memref_slice %arg3[%add3A, %dma_start3A_23, %dma_start3A_24] : memref<32x159x128xi32, #tpu.memory_space<hbm>> -> memref<1x159x128xi32, #tpu.memory_space<hbm>>
      %dma_start3A_26 = tpu.memref_squeeze %dma_start3A_25 : memref<1x159x128xi32, #tpu.memory_space<hbm>> -> memref<159x128xi32, #tpu.memory_space<hbm>>
      %dma_start3A_27 = arith.constant 0 : i32
      %dma_start3A_28 = arith.constant 0 : i32
      %dma_start3A_29 = tpu.memref_slice %arg3[%add3A, %dma_start3A_27, %dma_start3A_28] : memref<32x159x128xi32, #tpu.memory_space<hbm>> -> memref<1x159x128xi32, #tpu.memory_space<hbm>>
      %dma_start3A_30 = tpu.memref_squeeze %dma_start3A_29 : memref<1x159x128xi32, #tpu.memory_space<hbm>> -> memref<159x128xi32, #tpu.memory_space<hbm>>
      tpu.enqueue_dma source(%dma_start3A_30 : memref<159x128xi32, #tpu.memory_space<hbm>>) target(%arg6 : memref<159x128xi32, #tpu.memory_space<vmem>>) target_semaphore(%run_scoped3A : memref<!tpu.dma_semaphore, #tpu.memory_space<semaphore_mem>>)
      %dma_wait3A_31 = arith.constant 0 : i32
      %dma_wait3A_32 = arith.constant 0 : i32
      %dma_wait3A_33 = tpu.memref_slice %arg3[%add3A, %dma_wait3A_31, %dma_wait3A_32] : memref<32x159x128xi32, #tpu.memory_space<hbm>> -> memref<1x159x128xi32, #tpu.memory_space<hbm>>
      %dma_wait3A_34 = tpu.memref_squeeze %dma_wait3A_33 : memref<1x159x128xi32, #tpu.memory_space<hbm>> -> memref<159x128xi32, #tpu.memory_space<hbm>>
      %dma_wait3A_35 = arith.constant 0 : i32
      %dma_wait3A_36 = arith.constant 0 : i32
      %dma_wait3A_37 = tpu.memref_slice %arg3[%add3A, %dma_wait3A_35, %dma_wait3A_36] : memref<32x159x128xi32, #tpu.memory_space<hbm>> -> memref<1x159x128xi32, #tpu.memory_space<hbm>>
      %dma_wait3A_38 = tpu.memref_squeeze %dma_wait3A_37 : memref<1x159x128xi32, #tpu.memory_space<hbm>> -> memref<159x128xi32, #tpu.memory_space<hbm>>
      tpu.wait_dma2 semaphore(%run_scoped3A : memref<!tpu.dma_semaphore, #tpu.memory_space<semaphore_mem>>) src(%dma_wait3A_38 : memref<159x128xi32, #tpu.memory_space<hbm>>) dst(%arg6 : memref<159x128xi32, #tpu.memory_space<vmem>>)
      tpu.yield
    }) : () -> ()
    %barrier3A = arith.constant 0 : index
    tpu.barrier barrier_id(%barrier3A)
    %dma_start3A = arith.constant 0 : i32
    %dma_start3A_3 = arith.constant 0 : i32
    %dma_start3A_4 = tpu.memref_slice %arg6[%dma_start3A, %dma_start3A_3] : memref<159x128xi32, #tpu.memory_space<vmem>> -> memref<1x64xi32, #tpu.memory_space<vmem>>
    %dma_start3A_5 = tpu.memref_squeeze %dma_start3A_4 : memref<1x64xi32, #tpu.memory_space<vmem>> -> memref<64xi32, #tpu.memory_space<vmem>>
    %dma_start3A_6 = arith.constant 0 : i32
    %dma_start3A_7 = arith.constant 0 : i32
    %dma_start3A_8 = tpu.memref_slice %arg2[%dma_start3A_6, %dma_start3A_7] : memref<10240x128xf32, #tpu.memory_space<hbm>> -> memref<10240x128xf32, #tpu.memory_space<hbm>>
    tpu.enqueue_indirect_dma source(%dma_start3A_8 : memref<10240x128xf32, #tpu.memory_space<hbm>>) target(%arg7 : memref<64x128xf32, #tpu.memory_space<vmem>>) offsets(%dma_start3A_5 : memref<64xi32, #tpu.memory_space<vmem>>) semaphore(%arg10 : memref<!tpu.dma_semaphore, #tpu.memory_space<semaphore_mem>>)
    %scan3A = arith.constant 0 : i32
    %scan3A_9 = arith.constant 0 : i32
    %scan3A_10 = arith.constant 79 : i32
    %scan3A_11 = arith.addi %scan3A_9, %scan3A_10 : i32
    %scan3A_12 = arith.constant 1 : i32
    scf.for %scan3A_23 = %scan3A_9 to %scan3A_11 step %scan3A_12  : i32 {
      %mul3A_24 = arith.constant 2 : i32
      %mul3A_25 = arith.muli %mul3A_24, %scan3A_23 : i32
      %add3A_26 = arith.constant 1 : i32
      %add3A_27 = arith.addi %mul3A_25, %add3A_26 : i32
      %dma_start3A_28 = arith.constant 0 : i32
      %dma_start3A_29 = tpu.memref_slice %arg6[%add3A_27, %dma_start3A_28] : memref<159x128xi32, #tpu.memory_space<vmem>> -> memref<1x64xi32, #tpu.memory_space<vmem>>
      %dma_start3A_30 = tpu.memref_squeeze %dma_start3A_29 : memref<1x64xi32, #tpu.memory_space<vmem>> -> memref<64xi32, #tpu.memory_space<vmem>>
      %dma_start3A_31 = arith.constant 0 : i32
      %dma_start3A_32 = arith.constant 0 : i32
      %dma_start3A_33 = tpu.memref_slice %arg2[%dma_start3A_31, %dma_start3A_32] : memref<10240x128xf32, #tpu.memory_space<hbm>> -> memref<10240x128xf32, #tpu.memory_space<hbm>>
      tpu.enqueue_indirect_dma source(%dma_start3A_33 : memref<10240x128xf32, #tpu.memory_space<hbm>>) target(%arg8 : memref<64x128xf32, #tpu.memory_space<vmem>>) offsets(%dma_start3A_30 : memref<64xi32, #tpu.memory_space<vmem>>) semaphore(%arg11 : memref<!tpu.dma_semaphore, #tpu.memory_space<semaphore_mem>>)
      %dma_wait3A_34 = arith.constant 0 : i32
      %dma_wait3A_35 = tpu.memref_slice %arg6[%mul3A_25, %dma_wait3A_34] : memref<159x128xi32, #tpu.memory_space<vmem>> -> memref<1x64xi32, #tpu.memory_space<vmem>>
      %dma_wait3A_36 = tpu.memref_squeeze %dma_wait3A_35 : memref<1x64xi32, #tpu.memory_space<vmem>> -> memref<64xi32, #tpu.memory_space<vmem>>
      %dma_wait3A_37 = arith.constant 0 : i32
      %dma_wait3A_38 = arith.constant 0 : i32
      %dma_wait3A_39 = tpu.memref_slice %arg2[%dma_wait3A_37, %dma_wait3A_38] : memref<10240x128xf32, #tpu.memory_space<hbm>> -> memref<10240x128xf32, #tpu.memory_space<hbm>>
      tpu.wait_indirect_dma semaphore(%arg10 : memref<!tpu.dma_semaphore, #tpu.memory_space<semaphore_mem>>) src(%dma_wait3A_39 : memref<10240x128xf32, #tpu.memory_space<hbm>>) dst(%arg7 : memref<64x128xf32, #tpu.memory_space<vmem>>)
      "tpu.region"() ({
        %run_scoped3A = tpu.sem_alloc : memref<!tpu.dma_semaphore, #tpu.memory_space<semaphore_mem>>
        %dma_start3A_56 = arith.constant 64 : i32
        %dma_start3A_57 = tpu.memref_slice %arg6[%mul3A_25, %dma_start3A_56] : memref<159x128xi32, #tpu.memory_space<vmem>> -> memref<1x64xi32, #tpu.memory_space<vmem>>
        %dma_start3A_58 = tpu.memref_squeeze %dma_start3A_57 : memref<1x64xi32, #tpu.memory_space<vmem>> -> memref<64xi32, #tpu.memory_space<vmem>>
        %dma_start3A_59 = arith.constant 0 : i32
        %dma_start3A_60 = arith.constant 0 : i32
        %dma_start3A_61 = tpu.memref_slice %arg9[%dma_start3A_59, %dma_start3A_60] : memref<10240x128xf32, #tpu.memory_space<vmem_shared>> -> memref<10240x128xf32, #tpu.memory_space<vmem_shared>>
        tpu.enqueue_indirect_dma source(%arg7 : memref<64x128xf32, #tpu.memory_space<vmem>>) target(%dma_start3A_61 : memref<10240x128xf32, #tpu.memory_space<vmem_shared>>) offsets(%dma_start3A_58 : memref<64xi32, #tpu.memory_space<vmem>>) semaphore(%run_scoped3A : memref<!tpu.dma_semaphore, #tpu.memory_space<semaphore_mem>>) {add = true}
        %dma_wait3A_62 = arith.constant 64 : i32
        %dma_wait3A_63 = tpu.memref_slice %arg6[%mul3A_25, %dma_wait3A_62] : memref<159x128xi32, #tpu.memory_space<vmem>> -> memref<1x64xi32, #tpu.memory_space<vmem>>
        %dma_wait3A_64 = tpu.memref_squeeze %dma_wait3A_63 : memref<1x64xi32, #tpu.memory_space<vmem>> -> memref<64xi32, #tpu.memory_space<vmem>>
        %dma_wait3A_65 = arith.constant 0 : i32
        %dma_wait3A_66 = arith.constant 0 : i32
        %dma_wait3A_67 = tpu.memref_slice %arg9[%dma_wait3A_65, %dma_wait3A_66] : memref<10240x128xf32, #tpu.memory_space<vmem_shared>> -> memref<10240x128xf32, #tpu.memory_space<vmem_shared>>
        tpu.wait_indirect_dma semaphore(%run_scoped3A : memref<!tpu.dma_semaphore, #tpu.memory_space<semaphore_mem>>) src(%arg7 : memref<64x128xf32, #tpu.memory_space<vmem>>) dst(%dma_wait3A_67 : memref<10240x128xf32, #tpu.memory_space<vmem_shared>>)
        tpu.yield
      }) : () -> ()
      %add3A_40 = arith.constant 2 : i32
      %add3A_41 = arith.addi %mul3A_25, %add3A_40 : i32
      %dma_start3A_42 = arith.constant 0 : i32
      %dma_start3A_43 = tpu.memref_slice %arg6[%add3A_41, %dma_start3A_42] : memref<159x128xi32, #tpu.memory_space<vmem>> -> memref<1x64xi32, #tpu.memory_space<vmem>>
      %dma_start3A_44 = tpu.memref_squeeze %dma_start3A_43 : memref<1x64xi32, #tpu.memory_space<vmem>> -> memref<64xi32, #tpu.memory_space<vmem>>
      %dma_start3A_45 = arith.constant 0 : i32
      %dma_start3A_46 = arith.constant 0 : i32
      %dma_start3A_47 = tpu.memref_slice %arg2[%dma_start3A_45, %dma_start3A_46] : memref<10240x128xf32, #tpu.memory_space<hbm>> -> memref<10240x128xf32, #tpu.memory_space<hbm>>
      tpu.enqueue_indirect_dma source(%dma_start3A_47 : memref<10240x128xf32, #tpu.memory_space<hbm>>) target(%arg7 : memref<64x128xf32, #tpu.memory_space<vmem>>) offsets(%dma_start3A_44 : memref<64xi32, #tpu.memory_space<vmem>>) semaphore(%arg10 : memref<!tpu.dma_semaphore, #tpu.memory_space<semaphore_mem>>)
      %dma_wait3A_48 = arith.constant 0 : i32
      %dma_wait3A_49 = tpu.memref_slice %arg6[%add3A_27, %dma_wait3A_48] : memref<159x128xi32, #tpu.memory_space<vmem>> -> memref<1x64xi32, #tpu.memory_space<vmem>>
      %dma_wait3A_50 = tpu.memref_squeeze %dma_wait3A_49 : memref<1x64xi32, #tpu.memory_space<vmem>> -> memref<64xi32, #tpu.memory_space<vmem>>
      %dma_wait3A_51 = arith.constant 0 : i32
      %dma_wait3A_52 = arith.constant 0 : i32
      %dma_wait3A_53 = tpu.memref_slice %arg2[%dma_wait3A_51, %dma_wait3A_52] : memref<10240x128xf32, #tpu.memory_space<hbm>> -> memref<10240x128xf32, #tpu.memory_space<hbm>>
      tpu.wait_indirect_dma semaphore(%arg11 : memref<!tpu.dma_semaphore, #tpu.memory_space<semaphore_mem>>) src(%dma_wait3A_53 : memref<10240x128xf32, #tpu.memory_space<hbm>>) dst(%arg8 : memref<64x128xf32, #tpu.memory_space<vmem>>)
      %add3A_54 = arith.constant 1 : i32
      %add3A_55 = arith.addi %mul3A_25, %add3A_54 : i32
      "tpu.region"() ({
        %run_scoped3A = tpu.sem_alloc : memref<!tpu.dma_semaphore, #tpu.memory_space<semaphore_mem>>
        %dma_start3A_56 = arith.constant 64 : i32
        %dma_start3A_57 = tpu.memref_slice %arg6[%add3A_55, %dma_start3A_56] : memref<159x128xi32, #tpu.memory_space<vmem>> -> memref<1x64xi32, #tpu.memory_space<vmem>>
        %dma_start3A_58 = tpu.memref_squeeze %dma_start3A_57 : memref<1x64xi32, #tpu.memory_space<vmem>> -> memref<64xi32, #tpu.memory_space<vmem>>
        %dma_start3A_59 = arith.constant 0 : i32
        %dma_start3A_60 = arith.constant 0 : i32
        %dma_start3A_61 = tpu.memref_slice %arg9[%dma_start3A_59, %dma_start3A_60] : memref<10240x128xf32, #tpu.memory_space<vmem_shared>> -> memref<10240x128xf32, #tpu.memory_space<vmem_shared>>
        tpu.enqueue_indirect_dma source(%arg8 : memref<64x128xf32, #tpu.memory_space<vmem>>) target(%dma_start3A_61 : memref<10240x128xf32, #tpu.memory_space<vmem_shared>>) offsets(%dma_start3A_58 : memref<64xi32, #tpu.memory_space<vmem>>) semaphore(%run_scoped3A : memref<!tpu.dma_semaphore, #tpu.memory_space<semaphore_mem>>) {add = true}
        %dma_wait3A_62 = arith.constant 64 : i32
        %dma_wait3A_63 = tpu.memref_slice %arg6[%add3A_55, %dma_wait3A_62] : memref<159x128xi32, #tpu.memory_space<vmem>> -> memref<1x64xi32, #tpu.memory_space<vmem>>
        %dma_wait3A_64 = tpu.memref_squeeze %dma_wait3A_63 : memref<1x64xi32, #tpu.memory_space<vmem>> -> memref<64xi32, #tpu.memory_space<vmem>>
        %dma_wait3A_65 = arith.constant 0 : i32
        %dma_wait3A_66 = arith.constant 0 : i32
        %dma_wait3A_67 = tpu.memref_slice %arg9[%dma_wait3A_65, %dma_wait3A_66] : memref<10240x128xf32, #tpu.memory_space<vmem_shared>> -> memref<10240x128xf32, #tpu.memory_space<vmem_shared>>
        tpu.wait_indirect_dma semaphore(%run_scoped3A : memref<!tpu.dma_semaphore, #tpu.memory_space<semaphore_mem>>) src(%arg8 : memref<64x128xf32, #tpu.memory_space<vmem>>) dst(%dma_wait3A_67 : memref<10240x128xf32, #tpu.memory_space<vmem_shared>>)
        tpu.yield
      }) : () -> ()
    }
    %scan3A_13 = arith.constant 79 : i32
    %dma_wait3A = arith.constant 158 : i32
    %dma_wait3A_14 = arith.constant 0 : i32
    %dma_wait3A_15 = tpu.memref_slice %arg6[%dma_wait3A, %dma_wait3A_14] : memref<159x128xi32, #tpu.memory_space<vmem>> -> memref<1x64xi32, #tpu.memory_space<vmem>>
    %dma_wait3A_16 = tpu.memref_squeeze %dma_wait3A_15 : memref<1x64xi32, #tpu.memory_space<vmem>> -> memref<64xi32, #tpu.memory_space<vmem>>
    %dma_wait3A_17 = arith.constant 0 : i32
    %dma_wait3A_18 = arith.constant 0 : i32
    %dma_wait3A_19 = tpu.memref_slice %arg2[%dma_wait3A_17, %dma_wait3A_18] : memref<10240x128xf32, #tpu.memory_space<hbm>> -> memref<10240x128xf32, #tpu.memory_space<hbm>>
    tpu.wait_indirect_dma semaphore(%arg10 : memref<!tpu.dma_semaphore, #tpu.memory_space<semaphore_mem>>) src(%dma_wait3A_19 : memref<10240x128xf32, #tpu.memory_space<hbm>>) dst(%arg7 : memref<64x128xf32, #tpu.memory_space<vmem>>)
    %barrier3A_20 = arith.constant 0 : index
    tpu.barrier barrier_id(%barrier3A_20)
    %mul3A_21 = arith.constant 640 : i32
    %mul3A_22 = arith.muli %arg1, %mul3A_21 : i32
    "tpu.region"() ({
      %run_scoped3A = tpu.sem_alloc : memref<!tpu.dma_semaphore, #tpu.memory_space<semaphore_mem>>
      %dma_start3A_23 = arith.constant 0 : i32
      %dma_start3A_24 = tpu.memref_slice %arg5[%arg0, %mul3A_22, %dma_start3A_23] : memref<2x10240x128xf32, #tpu.memory_space<hbm>> -> memref<1x640x128xf32, #tpu.memory_space<hbm>>
      %dma_start3A_25 = tpu.memref_squeeze %dma_start3A_24 : memref<1x640x128xf32, #tpu.memory_space<hbm>> -> memref<640x128xf32, #tpu.memory_space<hbm>>
      %dma_start3A_26 = arith.constant 0 : i32
      %dma_start3A_27 = tpu.memref_slice %arg9[%mul3A_22, %dma_start3A_26] : memref<10240x128xf32, #tpu.memory_space<vmem_shared>> -> memref<640x128xf32, #tpu.memory_space<vmem_shared>>
      tpu.enqueue_dma source(%dma_start3A_27 : memref<640x128xf32, #tpu.memory_space<vmem_shared>>) target(%dma_start3A_25 : memref<640x128xf32, #tpu.memory_space<hbm>>) target_semaphore(%run_scoped3A : memref<!tpu.dma_semaphore, #tpu.memory_space<semaphore_mem>>)
      %dma_wait3A_28 = arith.constant 0 : i32
      %dma_wait3A_29 = tpu.memref_slice %arg5[%arg0, %mul3A_22, %dma_wait3A_28] : memref<2x10240x128xf32, #tpu.memory_space<hbm>> -> memref<1x640x128xf32, #tpu.memory_space<hbm>>
      %dma_wait3A_30 = tpu.memref_squeeze %dma_wait3A_29 : memref<1x640x128xf32, #tpu.memory_space<hbm>> -> memref<640x128xf32, #tpu.memory_space<hbm>>
      %dma_wait3A_31 = arith.constant 0 : i32
      %dma_wait3A_32 = tpu.memref_slice %arg9[%mul3A_22, %dma_wait3A_31] : memref<10240x128xf32, #tpu.memory_space<vmem_shared>> -> memref<640x128xf32, #tpu.memory_space<vmem_shared>>
      tpu.wait_dma2 semaphore(%run_scoped3A : memref<!tpu.dma_semaphore, #tpu.memory_space<semaphore_mem>>) src(%dma_wait3A_32 : memref<640x128xf32, #tpu.memory_space<vmem_shared>>) dst(%dma_wait3A_30 : memref<640x128xf32, #tpu.memory_space<hbm>>)
      tpu.yield
    }) : () -> ()
    return
  }
}

#map = affine_map<(d0, d1) -> (0, 0, 0)>
#map1 = affine_map<(d0, d1) -> (0, 0)>
module attributes {stable_mosaic.version = 14 : i64} {
  func.func @_deg_kernel(%arg0: i32, %arg1: i32, %arg2: memref<32x159x128xi32, #tpu.memory_space<hbm>>, %arg3: memref<64x128xf32, #tpu.memory_space<hbm>>, %arg4: memref<640x128xf32, #tpu.memory_space<hbm>>, %arg5: memref<2x10240x128xf32, #tpu.memory_space<hbm>>, %arg6: memref<159x128xi32, #tpu.memory_space<vmem>>, %arg7: memref<64x128xf32, #tpu.memory_space<vmem>>, %arg8: memref<10240x128xf32, #tpu.memory_space<vmem_shared>>) attributes {dimension_semantics = [#tpu.dimension_semantics<core_parallel>, #tpu.dimension_semantics<subcore_parallel>], iteration_bounds = array<i64: 2, 16>, scalar_prefetch = 0 : i64, scratch_operands = 3 : i64, tpu.core_type = #tpu.core_type<sc_vector_subcore>, window_params = [{transform_indices = #map}, {transform_indices = #map1}, {transform_indices = #map1}, {transform_indices = #map}]} {
    %mul3A = arith.constant 16 : i32
    %mul3A_0 = arith.muli %arg0, %mul3A : i32
    %add3A = arith.addi %mul3A_0, %arg1 : i32
    %mul3A_1 = arith.constant 640 : i32
    %mul3A_2 = arith.muli %arg1, %mul3A_1 : i32
    "tpu.region"() ({
      %run_scoped3A = tpu.sem_alloc : memref<!tpu.dma_semaphore, #tpu.memory_space<semaphore_mem>>
      %dma_start3A = arith.constant 0 : i32
      %dma_start3A_11 = tpu.memref_slice %arg8[%mul3A_2, %dma_start3A] : memref<10240x128xf32, #tpu.memory_space<vmem_shared>> -> memref<640x128xf32, #tpu.memory_space<vmem_shared>>
      tpu.enqueue_dma source(%arg4 : memref<640x128xf32, #tpu.memory_space<hbm>>) target(%dma_start3A_11 : memref<640x128xf32, #tpu.memory_space<vmem_shared>>) target_semaphore(%run_scoped3A : memref<!tpu.dma_semaphore, #tpu.memory_space<semaphore_mem>>)
      %dma_wait3A = arith.constant 0 : i32
      %dma_wait3A_12 = tpu.memref_slice %arg8[%mul3A_2, %dma_wait3A] : memref<10240x128xf32, #tpu.memory_space<vmem_shared>> -> memref<640x128xf32, #tpu.memory_space<vmem_shared>>
      tpu.wait_dma2 semaphore(%run_scoped3A : memref<!tpu.dma_semaphore, #tpu.memory_space<semaphore_mem>>) src(%arg4 : memref<640x128xf32, #tpu.memory_space<hbm>>) dst(%dma_wait3A_12 : memref<640x128xf32, #tpu.memory_space<vmem_shared>>)
      tpu.yield
    }) : () -> ()
    "tpu.region"() ({
      %run_scoped3A = tpu.sem_alloc : memref<!tpu.dma_semaphore, #tpu.memory_space<semaphore_mem>>
      tpu.enqueue_dma source(%arg3 : memref<64x128xf32, #tpu.memory_space<hbm>>) target(%arg7 : memref<64x128xf32, #tpu.memory_space<vmem>>) target_semaphore(%run_scoped3A : memref<!tpu.dma_semaphore, #tpu.memory_space<semaphore_mem>>)
      tpu.wait_dma2 semaphore(%run_scoped3A : memref<!tpu.dma_semaphore, #tpu.memory_space<semaphore_mem>>) src(%arg3 : memref<64x128xf32, #tpu.memory_space<hbm>>) dst(%arg7 : memref<64x128xf32, #tpu.memory_space<vmem>>)
      tpu.yield
    }) : () -> ()
    "tpu.region"() ({
      %run_scoped3A = tpu.sem_alloc : memref<!tpu.dma_semaphore, #tpu.memory_space<semaphore_mem>>
      %dma_start3A = arith.constant 0 : i32
      %dma_start3A_11 = arith.constant 0 : i32
      %dma_start3A_12 = tpu.memref_slice %arg2[%add3A, %dma_start3A, %dma_start3A_11] : memref<32x159x128xi32, #tpu.memory_space<hbm>> -> memref<1x159x128xi32, #tpu.memory_space<hbm>>
      %dma_start3A_13 = tpu.memref_squeeze %dma_start3A_12 : memref<1x159x128xi32, #tpu.memory_space<hbm>> -> memref<159x128xi32, #tpu.memory_space<hbm>>
      %dma_start3A_14 = arith.constant 0 : i32
      %dma_start3A_15 = arith.constant 0 : i32
      %dma_start3A_16 = tpu.memref_slice %arg2[%add3A, %dma_start3A_14, %dma_start3A_15] : memref<32x159x128xi32, #tpu.memory_space<hbm>> -> memref<1x159x128xi32, #tpu.memory_space<hbm>>
      %dma_start3A_17 = tpu.memref_squeeze %dma_start3A_16 : memref<1x159x128xi32, #tpu.memory_space<hbm>> -> memref<159x128xi32, #tpu.memory_space<hbm>>
      tpu.enqueue_dma source(%dma_start3A_17 : memref<159x128xi32, #tpu.memory_space<hbm>>) target(%arg6 : memref<159x128xi32, #tpu.memory_space<vmem>>) target_semaphore(%run_scoped3A : memref<!tpu.dma_semaphore, #tpu.memory_space<semaphore_mem>>)
      %dma_wait3A = arith.constant 0 : i32
      %dma_wait3A_18 = arith.constant 0 : i32
      %dma_wait3A_19 = tpu.memref_slice %arg2[%add3A, %dma_wait3A, %dma_wait3A_18] : memref<32x159x128xi32, #tpu.memory_space<hbm>> -> memref<1x159x128xi32, #tpu.memory_space<hbm>>
      %dma_wait3A_20 = tpu.memref_squeeze %dma_wait3A_19 : memref<1x159x128xi32, #tpu.memory_space<hbm>> -> memref<159x128xi32, #tpu.memory_space<hbm>>
      %dma_wait3A_21 = arith.constant 0 : i32
      %dma_wait3A_22 = arith.constant 0 : i32
      %dma_wait3A_23 = tpu.memref_slice %arg2[%add3A, %dma_wait3A_21, %dma_wait3A_22] : memref<32x159x128xi32, #tpu.memory_space<hbm>> -> memref<1x159x128xi32, #tpu.memory_space<hbm>>
      %dma_wait3A_24 = tpu.memref_squeeze %dma_wait3A_23 : memref<1x159x128xi32, #tpu.memory_space<hbm>> -> memref<159x128xi32, #tpu.memory_space<hbm>>
      tpu.wait_dma2 semaphore(%run_scoped3A : memref<!tpu.dma_semaphore, #tpu.memory_space<semaphore_mem>>) src(%dma_wait3A_24 : memref<159x128xi32, #tpu.memory_space<hbm>>) dst(%arg6 : memref<159x128xi32, #tpu.memory_space<vmem>>)
      tpu.yield
    }) : () -> ()
    %barrier3A = arith.constant 0 : index
    tpu.barrier barrier_id(%barrier3A)
    %scan3A = arith.constant 0 : i32
    %scan3A_3 = arith.constant 0 : i32
    %scan3A_4 = arith.constant 158 : i32
    %scan3A_5 = arith.addi %scan3A_3, %scan3A_4 : i32
    %scan3A_6 = arith.constant 1 : i32
    scf.for %scan3A_11 = %scan3A_3 to %scan3A_5 step %scan3A_6  : i32 {
      "tpu.region"() ({
        %run_scoped3A = tpu.sem_alloc : memref<!tpu.dma_semaphore, #tpu.memory_space<semaphore_mem>>
        %dma_start3A = arith.constant 64 : i32
        %dma_start3A_12 = tpu.memref_slice %arg6[%scan3A_11, %dma_start3A] : memref<159x128xi32, #tpu.memory_space<vmem>> -> memref<1x64xi32, #tpu.memory_space<vmem>>
        %dma_start3A_13 = tpu.memref_squeeze %dma_start3A_12 : memref<1x64xi32, #tpu.memory_space<vmem>> -> memref<64xi32, #tpu.memory_space<vmem>>
        %dma_start3A_14 = arith.constant 0 : i32
        %dma_start3A_15 = arith.constant 0 : i32
        %dma_start3A_16 = tpu.memref_slice %arg8[%dma_start3A_14, %dma_start3A_15] : memref<10240x128xf32, #tpu.memory_space<vmem_shared>> -> memref<10240x128xf32, #tpu.memory_space<vmem_shared>>
        tpu.enqueue_indirect_dma source(%arg7 : memref<64x128xf32, #tpu.memory_space<vmem>>) target(%dma_start3A_16 : memref<10240x128xf32, #tpu.memory_space<vmem_shared>>) offsets(%dma_start3A_13 : memref<64xi32, #tpu.memory_space<vmem>>) semaphore(%run_scoped3A : memref<!tpu.dma_semaphore, #tpu.memory_space<semaphore_mem>>) {add = true}
        %dma_wait3A = arith.constant 64 : i32
        %dma_wait3A_17 = tpu.memref_slice %arg6[%scan3A_11, %dma_wait3A] : memref<159x128xi32, #tpu.memory_space<vmem>> -> memref<1x64xi32, #tpu.memory_space<vmem>>
        %dma_wait3A_18 = tpu.memref_squeeze %dma_wait3A_17 : memref<1x64xi32, #tpu.memory_space<vmem>> -> memref<64xi32, #tpu.memory_space<vmem>>
        %dma_wait3A_19 = arith.constant 0 : i32
        %dma_wait3A_20 = arith.constant 0 : i32
        %dma_wait3A_21 = tpu.memref_slice %arg8[%dma_wait3A_19, %dma_wait3A_20] : memref<10240x128xf32, #tpu.memory_space<vmem_shared>> -> memref<10240x128xf32, #tpu.memory_space<vmem_shared>>
        tpu.wait_indirect_dma semaphore(%run_scoped3A : memref<!tpu.dma_semaphore, #tpu.memory_space<semaphore_mem>>) src(%arg7 : memref<64x128xf32, #tpu.memory_space<vmem>>) dst(%dma_wait3A_21 : memref<10240x128xf32, #tpu.memory_space<vmem_shared>>)
        tpu.yield
      }) : () -> ()
    }
    %scan3A_7 = arith.constant 158 : i32
    %barrier3A_8 = arith.constant 0 : index
    tpu.barrier barrier_id(%barrier3A_8)
    %mul3A_9 = arith.constant 640 : i32
    %mul3A_10 = arith.muli %arg1, %mul3A_9 : i32
    "tpu.region"() ({
      %run_scoped3A = tpu.sem_alloc : memref<!tpu.dma_semaphore, #tpu.memory_space<semaphore_mem>>
      %dma_start3A = arith.constant 0 : i32
      %dma_start3A_11 = tpu.memref_slice %arg5[%arg0, %mul3A_10, %dma_start3A] : memref<2x10240x128xf32, #tpu.memory_space<hbm>> -> memref<1x640x128xf32, #tpu.memory_space<hbm>>
      %dma_start3A_12 = tpu.memref_squeeze %dma_start3A_11 : memref<1x640x128xf32, #tpu.memory_space<hbm>> -> memref<640x128xf32, #tpu.memory_space<hbm>>
      %dma_start3A_13 = arith.constant 0 : i32
      %dma_start3A_14 = tpu.memref_slice %arg8[%mul3A_10, %dma_start3A_13] : memref<10240x128xf32, #tpu.memory_space<vmem_shared>> -> memref<640x128xf32, #tpu.memory_space<vmem_shared>>
      tpu.enqueue_dma source(%dma_start3A_14 : memref<640x128xf32, #tpu.memory_space<vmem_shared>>) target(%dma_start3A_12 : memref<640x128xf32, #tpu.memory_space<hbm>>) target_semaphore(%run_scoped3A : memref<!tpu.dma_semaphore, #tpu.memory_space<semaphore_mem>>)
      %dma_wait3A = arith.constant 0 : i32
      %dma_wait3A_15 = tpu.memref_slice %arg5[%arg0, %mul3A_10, %dma_wait3A] : memref<2x10240x128xf32, #tpu.memory_space<hbm>> -> memref<1x640x128xf32, #tpu.memory_space<hbm>>
      %dma_wait3A_16 = tpu.memref_squeeze %dma_wait3A_15 : memref<1x640x128xf32, #tpu.memory_space<hbm>> -> memref<640x128xf32, #tpu.memory_space<hbm>>
      %dma_wait3A_17 = arith.constant 0 : i32
      %dma_wait3A_18 = tpu.memref_slice %arg8[%mul3A_10, %dma_wait3A_17] : memref<10240x128xf32, #tpu.memory_space<vmem_shared>> -> memref<640x128xf32, #tpu.memory_space<vmem_shared>>
      tpu.wait_dma2 semaphore(%run_scoped3A : memref<!tpu.dma_semaphore, #tpu.memory_space<semaphore_mem>>) src(%dma_wait3A_18 : memref<640x128xf32, #tpu.memory_space<vmem_shared>>) dst(%dma_wait3A_16 : memref<640x128xf32, #tpu.memory_space<hbm>>)
      tpu.yield
    }) : () -> ()
    return
  }
}

module attributes {stable_mosaic.version = 14 : i64} {
  func.func @_tc1_body(%arg0: i32, %arg1: memref<1024x128xf32, #tpu.memory_space<vmem>>, %arg2: memref<128x128xf32, #tpu.memory_space<vmem>>, %arg3: memref<1x128xf32, #tpu.memory_space<vmem>>, %arg4: memref<128x128xf32, #tpu.memory_space<vmem>>, %arg5: memref<1024x128xf32, #tpu.memory_space<vmem>>, %arg6: memref<1024x128xf32, #tpu.memory_space<vmem>>) attributes {dimension_semantics = [#tpu.dimension_semantics<arbitrary>], iteration_bounds = array<i64: 10>, scalar_prefetch = 0 : i64, scratch_operands = 0 : i64, tpu.core_type = #tpu.core_type<tc>, window_params = [{transform_indices = @transform_0, window_bounds = array<i64: 1024, 128>}, {pipeline_mode = #tpu.pipeline_mode<synchronous>, transform_indices = @transform_1, window_bounds = array<i64: 128, 128>}, {pipeline_mode = #tpu.pipeline_mode<synchronous>, transform_indices = @transform_2, window_bounds = array<i64: 1, 128>}, {pipeline_mode = #tpu.pipeline_mode<synchronous>, transform_indices = @transform_3, window_bounds = array<i64: 128, 128>}, {transform_indices = @transform_4, window_bounds = array<i64: 1024, 128>}, {transform_indices = @transform_5, window_bounds = array<i64: 1024, 128>}]} {
    %get3A = arith.constant 0 : index
    %get3A_0 = arith.constant 0 : index
    %get3A_1 = vector.load %arg1[%get3A, %get3A_0] : memref<1024x128xf32, #tpu.memory_space<vmem>>, vector<1024x128xf32>
    %get3A_2 = arith.constant 0 : index
    %get3A_3 = arith.constant 0 : index
    %get3A_4 = vector.load %arg2[%get3A_2, %get3A_3] : memref<128x128xf32, #tpu.memory_space<vmem>>, vector<128x128xf32>
    %dot_general3A = arith.constant dense<0.000000e+00> : vector<1024x128xf32>
    %dot_general3A_5 = tpu.matmul %get3A_1, %get3A_4, %dot_general3A {dimension_numbers = #tpu.dot_dimension_numbers<[1], [0], [0], [1], [0, 0, 1, 1], [], []>, transpose_lhs_hint = false} : vector<1024x128xf32>, vector<128x128xf32>, vector<1024x128xf32> -> vector<1024x128xf32>
    %get3A_6 = arith.constant 0 : index
    %get3A_7 = arith.constant 0 : index
    %get3A_8 = vector.load %arg3[%get3A_6, %get3A_7] : memref<1x128xf32, #tpu.memory_space<vmem>>, vector<1x128xf32>
    %add3A = vector.broadcast %get3A_8 : vector<1x128xf32> to vector<1024x128xf32>
    %add3A_9 = arith.addf %dot_general3A_5, %add3A : vector<1024x128xf32>
    %max3A = arith.constant 0.000000e+00 : f32
    %max3A_10 = vector.broadcast %max3A : f32 to vector<1024x128xf32>
    %max3A_11 = arith.maximumf %add3A_9, %max3A_10 : vector<1024x128xf32>
    %swap3A = arith.constant 0 : index
    %swap3A_12 = arith.constant 0 : index
    %swap3A_13 = vector.load %arg5[%swap3A, %swap3A_12] : memref<1024x128xf32, #tpu.memory_space<vmem>>, vector<1024x128xf32>
    tpu.vector_store %arg5[%swap3A, %swap3A_12], %max3A_11 {strides = array<i32>} : memref<1024x128xf32, #tpu.memory_space<vmem>>, vector<1024x128xf32>,
    %get3A_14 = arith.constant 0 : index
    %get3A_15 = arith.constant 0 : index
    %get3A_16 = vector.load %arg4[%get3A_14, %get3A_15] : memref<128x128xf32, #tpu.memory_space<vmem>>, vector<128x128xf32>
    %dot_general3A_17 = arith.constant dense<0.000000e+00> : vector<1024x128xf32>
    %dot_general3A_18 = tpu.matmul %get3A_1, %get3A_16, %dot_general3A_17 {dimension_numbers = #tpu.dot_dimension_numbers<[1], [0], [0], [1], [0, 0, 1, 1], [], []>, transpose_lhs_hint = false} : vector<1024x128xf32>, vector<128x128xf32>, vector<1024x128xf32> -> vector<1024x128xf32>
    %swap3A_19 = arith.constant 0 : index
    %swap3A_20 = arith.constant 0 : index
    %swap3A_21 = vector.load %arg6[%swap3A_19, %swap3A_20] : memref<1024x128xf32, #tpu.memory_space<vmem>>, vector<1024x128xf32>
    tpu.vector_store %arg6[%swap3A_19, %swap3A_20], %dot_general3A_18 {strides = array<i32>} : memref<1024x128xf32, #tpu.memory_space<vmem>>, vector<1024x128xf32>,
    return
  }
  func.func @transform_0(%arg0: i32) -> (i32, i32) {
    %c0_i32 = arith.constant 0 : i32
    %c0_i32_0 = arith.constant 0 : i32
    return %arg0, %c0_i32 : i32, i32
  }
  func.func @transform_1(%arg0: i32) -> (i32, i32) {
    %c0_i32 = arith.constant 0 : i32
    %c0_i32_0 = arith.constant 0 : i32
    %c0_i32_1 = arith.constant 0 : i32
    return %c0_i32, %c0_i32_0 : i32, i32
  }
  func.func @transform_2(%arg0: i32) -> (i32, i32) {
    %c0_i32 = arith.constant 0 : i32
    %c0_i32_0 = arith.constant 0 : i32
    %c0_i32_1 = arith.constant 0 : i32
    return %c0_i32, %c0_i32_0 : i32, i32
  }
  func.func @transform_3(%arg0: i32) -> (i32, i32) {
    %c0_i32 = arith.constant 0 : i32
    %c0_i32_0 = arith.constant 0 : i32
    %c0_i32_1 = arith.constant 0 : i32
    return %c0_i32, %c0_i32_0 : i32, i32
  }
  func.func @transform_4(%arg0: i32) -> (i32, i32) {
    %c0_i32 = arith.constant 0 : i32
    %c0_i32_0 = arith.constant 0 : i32
    return %arg0, %c0_i32 : i32, i32
  }
  func.func @transform_5(%arg0: i32) -> (i32, i32) {
    %c0_i32 = arith.constant 0 : i32
    %c0_i32_0 = arith.constant 0 : i32
    return %arg0, %c0_i32 : i32, i32
  }
}

module attributes {stable_mosaic.version = 14 : i64} {
  func.func @_tc2_body(%arg0: i32, %arg1: memref<1024x128xf32, #tpu.memory_space<vmem>>, %arg2: memref<1024x128xf32, #tpu.memory_space<vmem>>, %arg3: memref<1024x128xf32, #tpu.memory_space<vmem>>, %arg4: memref<1024x128xf32, #tpu.memory_space<vmem>>) attributes {dimension_semantics = [#tpu.dimension_semantics<arbitrary>], iteration_bounds = array<i64: 10>, scalar_prefetch = 0 : i64, scratch_operands = 0 : i64, tpu.core_type = #tpu.core_type<tc>, window_params = [{transform_indices = @transform_0, window_bounds = array<i64: 1024, 128>}, {transform_indices = @transform_1, window_bounds = array<i64: 1024, 128>}, {transform_indices = @transform_2, window_bounds = array<i64: 1024, 128>}, {transform_indices = @transform_3, window_bounds = array<i64: 1024, 128>}]} {
    %get3A = arith.constant 0 : index
    %get3A_0 = arith.constant 0 : index
    %get3A_1 = vector.load %arg1[%get3A, %get3A_0] : memref<1024x128xf32, #tpu.memory_space<vmem>>, vector<1024x128xf32>
    %get3A_2 = arith.constant 0 : index
    %get3A_3 = arith.constant 0 : index
    %get3A_4 = vector.load %arg2[%get3A_2, %get3A_3] : memref<1024x128xf32, #tpu.memory_space<vmem>>, vector<1024x128xf32>
    %slice3A = vector.extract_strided_slice %get3A_1 {offsets = [0, 0], sizes = [1024, 1], strides = [1, 1]} : vector<1024x128xf32> to vector<1024x1xf32>
    %add3A = arith.constant 1.000000e+00 : f32
    %add3A_5 = vector.broadcast %add3A : f32 to vector<1024x1xf32>
    %add3A_6 = arith.addf %add3A_5, %slice3A : vector<1024x1xf32>
    %slice3A_7 = vector.extract_strided_slice %get3A_4 {offsets = [0, 0], sizes = [1024, 1], strides = [1, 1]} : vector<1024x128xf32> to vector<1024x1xf32>
    %add3A_8 = arith.addf %add3A_6, %slice3A_7 : vector<1024x1xf32>
    %rsqrt3A = math.rsqrt %add3A_8 : vector<1024x1xf32>
    %get3A_9 = arith.constant 0 : index
    %get3A_10 = arith.constant 0 : index
    %get3A_11 = vector.load %arg3[%get3A_9, %get3A_10] : memref<1024x128xf32, #tpu.memory_space<vmem>>, vector<1024x128xf32>
    %mul3A = vector.broadcast %rsqrt3A : vector<1024x1xf32> to vector<1024x128xf32>
    %mul3A_12 = arith.mulf %mul3A, %get3A_11 : vector<1024x128xf32>
    %swap3A = arith.constant 0 : index
    %swap3A_13 = arith.constant 0 : index
    %swap3A_14 = vector.load %arg4[%swap3A, %swap3A_13] : memref<1024x128xf32, #tpu.memory_space<vmem>>, vector<1024x128xf32>
    tpu.vector_store %arg4[%swap3A, %swap3A_13], %mul3A_12 {strides = array<i32>} : memref<1024x128xf32, #tpu.memory_space<vmem>>, vector<1024x128xf32>,
    return
  }
  func.func @transform_0(%arg0: i32) -> (i32, i32) {
    %c0_i32 = arith.constant 0 : i32
    %c0_i32_0 = arith.constant 0 : i32
    return %arg0, %c0_i32 : i32, i32
  }
  func.func @transform_1(%arg0: i32) -> (i32, i32) {
    %c0_i32 = arith.constant 0 : i32
    %c0_i32_0 = arith.constant 0 : i32
    return %arg0, %c0_i32 : i32, i32
  }
  func.func @transform_2(%arg0: i32) -> (i32, i32) {
    %c0_i32 = arith.constant 0 : i32
    %c0_i32_0 = arith.constant 0 : i32
    return %arg0, %c0_i32 : i32, i32
  }
  func.func @transform_3(%arg0: i32) -> (i32, i32) {
    %c0_i32 = arith.constant 0 : i32
    %c0_i32_0 = arith.constant 0 : i32
    return %arg0, %c0_i32 : i32, i32
  }
}

module attributes {stable_mosaic.version = 14 : i64} {
  func.func @_tc3_body(%arg0: i32, %arg1: memref<1024x128xf32, #tpu.memory_space<vmem>>, %arg2: memref<1024x128xf32, #tpu.memory_space<vmem>>, %arg3: memref<1024x128xf32, #tpu.memory_space<vmem>>, %arg4: memref<1024x128xf32, #tpu.memory_space<vmem>>, %arg5: memref<1024x128xf32, #tpu.memory_space<vmem>>, %arg6: memref<1x128xf32, #tpu.memory_space<vmem>>, %arg7: memref<128x128xf32, #tpu.memory_space<vmem>>, %arg8: memref<1024x128xf32, #tpu.memory_space<vmem>>, %arg9: memref<1024x128xf32, #tpu.memory_space<vmem>>) attributes {dimension_semantics = [#tpu.dimension_semantics<arbitrary>], iteration_bounds = array<i64: 10>, scalar_prefetch = 0 : i64, scratch_operands = 0 : i64, tpu.core_type = #tpu.core_type<tc>, window_params = [{transform_indices = @transform_0, window_bounds = array<i64: 1024, 128>}, {transform_indices = @transform_1, window_bounds = array<i64: 1024, 128>}, {transform_indices = @transform_2, window_bounds = array<i64: 1024, 128>}, {transform_indices = @transform_3, window_bounds = array<i64: 1024, 128>}, {transform_indices = @transform_4, window_bounds = array<i64: 1024, 128>}, {pipeline_mode = #tpu.pipeline_mode<synchronous>, transform_indices = @transform_5, window_bounds = array<i64: 1, 128>}, {pipeline_mode = #tpu.pipeline_mode<synchronous>, transform_indices = @transform_6, window_bounds = array<i64: 128, 128>}, {transform_indices = @transform_7, window_bounds = array<i64: 1024, 128>}, {transform_indices = @transform_8, window_bounds = array<i64: 1024, 128>}]} {
    %get3A = arith.constant 0 : index
    %get3A_0 = arith.constant 0 : index
    %get3A_1 = vector.load %arg1[%get3A, %get3A_0] : memref<1024x128xf32, #tpu.memory_space<vmem>>, vector<1024x128xf32>
    %get3A_2 = arith.constant 0 : index
    %get3A_3 = arith.constant 0 : index
    %get3A_4 = vector.load %arg2[%get3A_2, %get3A_3] : memref<1024x128xf32, #tpu.memory_space<vmem>>, vector<1024x128xf32>
    %slice3A = vector.extract_strided_slice %get3A_1 {offsets = [0, 0], sizes = [1024, 1], strides = [1, 1]} : vector<1024x128xf32> to vector<1024x1xf32>
    %add3A = arith.constant 1.000000e+00 : f32
    %add3A_5 = vector.broadcast %add3A : f32 to vector<1024x1xf32>
    %add3A_6 = arith.addf %add3A_5, %slice3A : vector<1024x1xf32>
    %slice3A_7 = vector.extract_strided_slice %get3A_4 {offsets = [0, 0], sizes = [1024, 1], strides = [1, 1]} : vector<1024x128xf32> to vector<1024x1xf32>
    %add3A_8 = arith.addf %add3A_6, %slice3A_7 : vector<1024x1xf32>
    %rsqrt3A = math.rsqrt %add3A_8 : vector<1024x1xf32>
    %get3A_9 = arith.constant 0 : index
    %get3A_10 = arith.constant 0 : index
    %get3A_11 = vector.load %arg3[%get3A_9, %get3A_10] : memref<1024x128xf32, #tpu.memory_space<vmem>>, vector<1024x128xf32>
    %get3A_12 = arith.constant 0 : index
    %get3A_13 = arith.constant 0 : index
    %get3A_14 = vector.load %arg4[%get3A_12, %get3A_13] : memref<1024x128xf32, #tpu.memory_space<vmem>>, vector<1024x128xf32>
    %add3A_15 = arith.addf %get3A_11, %get3A_14 : vector<1024x128xf32>
    %get3A_16 = arith.constant 0 : index
    %get3A_17 = arith.constant 0 : index
    %get3A_18 = vector.load %arg5[%get3A_16, %get3A_17] : memref<1024x128xf32, #tpu.memory_space<vmem>>, vector<1024x128xf32>
    %add3A_19 = arith.addf %add3A_15, %get3A_18 : vector<1024x128xf32>
    %mul3A = vector.broadcast %rsqrt3A : vector<1024x1xf32> to vector<1024x128xf32>
    %mul3A_20 = arith.mulf %mul3A, %add3A_19 : vector<1024x128xf32>
    %get3A_21 = arith.constant 0 : index
    %get3A_22 = arith.constant 0 : index
    %get3A_23 = vector.load %arg6[%get3A_21, %get3A_22] : memref<1x128xf32, #tpu.memory_space<vmem>>, vector<1x128xf32>
    %add3A_24 = vector.broadcast %get3A_23 : vector<1x128xf32> to vector<1024x128xf32>
    %add3A_25 = arith.addf %mul3A_20, %add3A_24 : vector<1024x128xf32>
    %max3A = arith.constant 0.000000e+00 : f32
    %max3A_26 = vector.broadcast %max3A : f32 to vector<1024x128xf32>
    %max3A_27 = arith.maximumf %add3A_25, %max3A_26 : vector<1024x128xf32>
    %swap3A = arith.constant 0 : index
    %swap3A_28 = arith.constant 0 : index
    %swap3A_29 = vector.load %arg8[%swap3A, %swap3A_28] : memref<1024x128xf32, #tpu.memory_space<vmem>>, vector<1024x128xf32>
    tpu.vector_store %arg8[%swap3A, %swap3A_28], %max3A_27 {strides = array<i32>} : memref<1024x128xf32, #tpu.memory_space<vmem>>, vector<1024x128xf32>,
    %get3A_30 = arith.constant 0 : index
    %get3A_31 = arith.constant 0 : index
    %get3A_32 = vector.load %arg7[%get3A_30, %get3A_31] : memref<128x128xf32, #tpu.memory_space<vmem>>, vector<128x128xf32>
    %dot_general3A = arith.constant dense<0.000000e+00> : vector<1024x128xf32>
    %dot_general3A_33 = tpu.matmul %max3A_27, %get3A_32, %dot_general3A {dimension_numbers = #tpu.dot_dimension_numbers<[1], [0], [0], [1], [0, 0, 1, 1], [], []>, transpose_lhs_hint = false} : vector<1024x128xf32>, vector<128x128xf32>, vector<1024x128xf32> -> vector<1024x128xf32>
    %mul3A_34 = vector.broadcast %rsqrt3A : vector<1024x1xf32> to vector<1024x128xf32>
    %mul3A_35 = arith.mulf %mul3A_34, %dot_general3A_33 : vector<1024x128xf32>
    %swap3A_36 = arith.constant 0 : index
    %swap3A_37 = arith.constant 0 : index
    %swap3A_38 = vector.load %arg9[%swap3A_36, %swap3A_37] : memref<1024x128xf32, #tpu.memory_space<vmem>>, vector<1024x128xf32>
    tpu.vector_store %arg9[%swap3A_36, %swap3A_37], %mul3A_35 {strides = array<i32>} : memref<1024x128xf32, #tpu.memory_space<vmem>>, vector<1024x128xf32>,
    return
  }
  func.func @transform_0(%arg0: i32) -> (i32, i32) {
    %c0_i32 = arith.constant 0 : i32
    %c0_i32_0 = arith.constant 0 : i32
    return %arg0, %c0_i32 : i32, i32
  }
  func.func @transform_1(%arg0: i32) -> (i32, i32) {
    %c0_i32 = arith.constant 0 : i32
    %c0_i32_0 = arith.constant 0 : i32
    return %arg0, %c0_i32 : i32, i32
  }
  func.func @transform_2(%arg0: i32) -> (i32, i32) {
    %c0_i32 = arith.constant 0 : i32
    %c0_i32_0 = arith.constant 0 : i32
    return %arg0, %c0_i32 : i32, i32
  }
  func.func @transform_3(%arg0: i32) -> (i32, i32) {
    %c0_i32 = arith.constant 0 : i32
    %c0_i32_0 = arith.constant 0 : i32
    return %arg0, %c0_i32 : i32, i32
  }
  func.func @transform_4(%arg0: i32) -> (i32, i32) {
    %c0_i32 = arith.constant 0 : i32
    %c0_i32_0 = arith.constant 0 : i32
    return %arg0, %c0_i32 : i32, i32
  }
  func.func @transform_5(%arg0: i32) -> (i32, i32) {
    %c0_i32 = arith.constant 0 : i32
    %c0_i32_0 = arith.constant 0 : i32
    %c0_i32_1 = arith.constant 0 : i32
    return %c0_i32, %c0_i32_0 : i32, i32
  }
  func.func @transform_6(%arg0: i32) -> (i32, i32) {
    %c0_i32 = arith.constant 0 : i32
    %c0_i32_0 = arith.constant 0 : i32
    %c0_i32_1 = arith.constant 0 : i32
    return %c0_i32, %c0_i32_0 : i32, i32
  }
  func.func @transform_7(%arg0: i32) -> (i32, i32) {
    %c0_i32 = arith.constant 0 : i32
    %c0_i32_0 = arith.constant 0 : i32
    return %arg0, %c0_i32 : i32, i32
  }
  func.func @transform_8(%arg0: i32) -> (i32, i32) {
    %c0_i32 = arith.constant 0 : i32
    %c0_i32_0 = arith.constant 0 : i32
    return %arg0, %c0_i32 : i32, i32
  }
}

module attributes {stable_mosaic.version = 14 : i64} {
  func.func @_tc4_body(%arg0: i32, %arg1: memref<1024x128xf32, #tpu.memory_space<vmem>>, %arg2: memref<1024x128xf32, #tpu.memory_space<vmem>>, %arg3: memref<1024x128xf32, #tpu.memory_space<vmem>>, %arg4: memref<1024x128xf32, #tpu.memory_space<vmem>>, %arg5: memref<1024x128xf32, #tpu.memory_space<vmem>>, %arg6: memref<1x128xf32, #tpu.memory_space<vmem>>, %arg7: memref<1024x128xf32, #tpu.memory_space<vmem>>, %arg8: memref<1024x128xf32, #tpu.memory_space<vmem>>, %arg9: memref<128x64xf32, #tpu.memory_space<vmem>>, %arg10: memref<128x64xf32, #tpu.memory_space<vmem>>, %arg11: memref<128x64xf32, #tpu.memory_space<vmem>>, %arg12: memref<1x64xf32, #tpu.memory_space<vmem>>, %arg13: memref<1024x64xf32, #tpu.memory_space<vmem>>) attributes {dimension_semantics = [#tpu.dimension_semantics<arbitrary>], iteration_bounds = array<i64: 10>, scalar_prefetch = 0 : i64, scratch_operands = 0 : i64, tpu.core_type = #tpu.core_type<tc>, window_params = [{transform_indices = @transform_0, window_bounds = array<i64: 1024, 128>}, {transform_indices = @transform_1, window_bounds = array<i64: 1024, 128>}, {transform_indices = @transform_2, window_bounds = array<i64: 1024, 128>}, {transform_indices = @transform_3, window_bounds = array<i64: 1024, 128>}, {transform_indices = @transform_4, window_bounds = array<i64: 1024, 128>}, {pipeline_mode = #tpu.pipeline_mode<synchronous>, transform_indices = @transform_5, window_bounds = array<i64: 1, 128>}, {transform_indices = @transform_6, window_bounds = array<i64: 1024, 128>}, {transform_indices = @transform_7, window_bounds = array<i64: 1024, 128>}, {pipeline_mode = #tpu.pipeline_mode<synchronous>, transform_indices = @transform_8, window_bounds = array<i64: 128, 64>}, {pipeline_mode = #tpu.pipeline_mode<synchronous>, transform_indices = @transform_9, window_bounds = array<i64: 128, 64>}, {pipeline_mode = #tpu.pipeline_mode<synchronous>, transform_indices = @transform_10, window_bounds = array<i64: 128, 64>}, {pipeline_mode = #tpu.pipeline_mode<synchronous>, transform_indices = @transform_11, window_bounds = array<i64: 1, 64>}, {transform_indices = @transform_12, window_bounds = array<i64: 1024, 64>}]} {
    %get3A = arith.constant 0 : index
    %get3A_0 = arith.constant 0 : index
    %get3A_1 = vector.load %arg1[%get3A, %get3A_0] : memref<1024x128xf32, #tpu.memory_space<vmem>>, vector<1024x128xf32>
    %get3A_2 = arith.constant 0 : index
    %get3A_3 = arith.constant 0 : index
    %get3A_4 = vector.load %arg2[%get3A_2, %get3A_3] : memref<1024x128xf32, #tpu.memory_space<vmem>>, vector<1024x128xf32>
    %slice3A = vector.extract_strided_slice %get3A_1 {offsets = [0, 0], sizes = [1024, 1], strides = [1, 1]} : vector<1024x128xf32> to vector<1024x1xf32>
    %add3A = arith.constant 1.000000e+00 : f32
    %add3A_5 = vector.broadcast %add3A : f32 to vector<1024x1xf32>
    %add3A_6 = arith.addf %add3A_5, %slice3A : vector<1024x1xf32>
    %slice3A_7 = vector.extract_strided_slice %get3A_4 {offsets = [0, 0], sizes = [1024, 1], strides = [1, 1]} : vector<1024x128xf32> to vector<1024x1xf32>
    %add3A_8 = arith.addf %add3A_6, %slice3A_7 : vector<1024x1xf32>
    %rsqrt3A = math.rsqrt %add3A_8 : vector<1024x1xf32>
    %get3A_9 = arith.constant 0 : index
    %get3A_10 = arith.constant 0 : index
    %get3A_11 = vector.load %arg3[%get3A_9, %get3A_10] : memref<1024x128xf32, #tpu.memory_space<vmem>>, vector<1024x128xf32>
    %get3A_12 = arith.constant 0 : index
    %get3A_13 = arith.constant 0 : index
    %get3A_14 = vector.load %arg4[%get3A_12, %get3A_13] : memref<1024x128xf32, #tpu.memory_space<vmem>>, vector<1024x128xf32>
    %add3A_15 = arith.addf %get3A_11, %get3A_14 : vector<1024x128xf32>
    %get3A_16 = arith.constant 0 : index
    %get3A_17 = arith.constant 0 : index
    %get3A_18 = vector.load %arg5[%get3A_16, %get3A_17] : memref<1024x128xf32, #tpu.memory_space<vmem>>, vector<1024x128xf32>
    %add3A_19 = arith.addf %add3A_15, %get3A_18 : vector<1024x128xf32>
    %mul3A = vector.broadcast %rsqrt3A : vector<1024x1xf32> to vector<1024x128xf32>
    %mul3A_20 = arith.mulf %mul3A, %add3A_19 : vector<1024x128xf32>
    %get3A_21 = arith.constant 0 : index
    %get3A_22 = arith.constant 0 : index
    %get3A_23 = vector.load %arg6[%get3A_21, %get3A_22] : memref<1x128xf32, #tpu.memory_space<vmem>>, vector<1x128xf32>
    %add3A_24 = vector.broadcast %get3A_23 : vector<1x128xf32> to vector<1024x128xf32>
    %add3A_25 = arith.addf %mul3A_20, %add3A_24 : vector<1024x128xf32>
    %max3A = arith.constant 0.000000e+00 : f32
    %max3A_26 = vector.broadcast %max3A : f32 to vector<1024x128xf32>
    %max3A_27 = arith.maximumf %add3A_25, %max3A_26 : vector<1024x128xf32>
    %get3A_28 = arith.constant 0 : index
    %get3A_29 = arith.constant 0 : index
    %get3A_30 = vector.load %arg7[%get3A_28, %get3A_29] : memref<1024x128xf32, #tpu.memory_space<vmem>>, vector<1024x128xf32>
    %get3A_31 = arith.constant 0 : index
    %get3A_32 = arith.constant 0 : index
    %get3A_33 = vector.load %arg9[%get3A_31, %get3A_32] : memref<128x64xf32, #tpu.memory_space<vmem>>, vector<128x64xf32>
    %dot_general3A = arith.constant dense<0.000000e+00> : vector<1024x64xf32>
    %dot_general3A_34 = tpu.matmul %get3A_30, %get3A_33, %dot_general3A {dimension_numbers = #tpu.dot_dimension_numbers<[1], [0], [0], [1], [0, 0, 1, 1], [], []>, transpose_lhs_hint = false} : vector<1024x128xf32>, vector<128x64xf32>, vector<1024x64xf32> -> vector<1024x64xf32>
    %get3A_35 = arith.constant 0 : index
    %get3A_36 = arith.constant 0 : index
    %get3A_37 = vector.load %arg8[%get3A_35, %get3A_36] : memref<1024x128xf32, #tpu.memory_space<vmem>>, vector<1024x128xf32>
    %get3A_38 = arith.constant 0 : index
    %get3A_39 = arith.constant 0 : index
    %get3A_40 = vector.load %arg10[%get3A_38, %get3A_39] : memref<128x64xf32, #tpu.memory_space<vmem>>, vector<128x64xf32>
    %dot_general3A_41 = arith.constant dense<0.000000e+00> : vector<1024x64xf32>
    %dot_general3A_42 = tpu.matmul %get3A_37, %get3A_40, %dot_general3A_41 {dimension_numbers = #tpu.dot_dimension_numbers<[1], [0], [0], [1], [0, 0, 1, 1], [], []>, transpose_lhs_hint = false} : vector<1024x128xf32>, vector<128x64xf32>, vector<1024x64xf32> -> vector<1024x64xf32>
    %add3A_43 = arith.addf %dot_general3A_34, %dot_general3A_42 : vector<1024x64xf32>
    %get3A_44 = arith.constant 0 : index
    %get3A_45 = arith.constant 0 : index
    %get3A_46 = vector.load %arg11[%get3A_44, %get3A_45] : memref<128x64xf32, #tpu.memory_space<vmem>>, vector<128x64xf32>
    %dot_general3A_47 = arith.constant dense<0.000000e+00> : vector<1024x64xf32>
    %dot_general3A_48 = tpu.matmul %max3A_27, %get3A_46, %dot_general3A_47 {dimension_numbers = #tpu.dot_dimension_numbers<[1], [0], [0], [1], [0, 0, 1, 1], [], []>, transpose_lhs_hint = false} : vector<1024x128xf32>, vector<128x64xf32>, vector<1024x64xf32> -> vector<1024x64xf32>
    %add3A_49 = arith.addf %add3A_43, %dot_general3A_48 : vector<1024x64xf32>
    %get3A_50 = arith.constant 0 : index
    %get3A_51 = arith.constant 0 : index
    %get3A_52 = vector.load %arg12[%get3A_50, %get3A_51] : memref<1x64xf32, #tpu.memory_space<vmem>>, vector<1x64xf32>
    %add3A_53 = vector.broadcast %get3A_52 : vector<1x64xf32> to vector<1024x64xf32>
    %add3A_54 = arith.addf %add3A_49, %add3A_53 : vector<1024x64xf32>
    %swap3A = arith.constant 0 : index
    %swap3A_55 = arith.constant 0 : index
    %swap3A_56 = vector.load %arg13[%swap3A, %swap3A_55] : memref<1024x64xf32, #tpu.memory_space<vmem>>, vector<1024x64xf32>
    tpu.vector_store %arg13[%swap3A, %swap3A_55], %add3A_54 {strides = array<i32>} : memref<1024x64xf32, #tpu.memory_space<vmem>>, vector<1024x64xf32>,
    return
  }
  func.func @transform_0(%arg0: i32) -> (i32, i32) {
    %c0_i32 = arith.constant 0 : i32
    %c0_i32_0 = arith.constant 0 : i32
    return %arg0, %c0_i32 : i32, i32
  }
  func.func @transform_1(%arg0: i32) -> (i32, i32) {
    %c0_i32 = arith.constant 0 : i32
    %c0_i32_0 = arith.constant 0 : i32
    return %arg0, %c0_i32 : i32, i32
  }
  func.func @transform_2(%arg0: i32) -> (i32, i32) {
    %c0_i32 = arith.constant 0 : i32
    %c0_i32_0 = arith.constant 0 : i32
    return %arg0, %c0_i32 : i32, i32
  }
  func.func @transform_3(%arg0: i32) -> (i32, i32) {
    %c0_i32 = arith.constant 0 : i32
    %c0_i32_0 = arith.constant 0 : i32
    return %arg0, %c0_i32 : i32, i32
  }
  func.func @transform_4(%arg0: i32) -> (i32, i32) {
    %c0_i32 = arith.constant 0 : i32
    %c0_i32_0 = arith.constant 0 : i32
    return %arg0, %c0_i32 : i32, i32
  }
  func.func @transform_5(%arg0: i32) -> (i32, i32) {
    %c0_i32 = arith.constant 0 : i32
    %c0_i32_0 = arith.constant 0 : i32
    %c0_i32_1 = arith.constant 0 : i32
    return %c0_i32, %c0_i32_0 : i32, i32
  }
  func.func @transform_6(%arg0: i32) -> (i32, i32) {
    %c0_i32 = arith.constant 0 : i32
    %c0_i32_0 = arith.constant 0 : i32
    return %arg0, %c0_i32 : i32, i32
  }
  func.func @transform_7(%arg0: i32) -> (i32, i32) {
    %c0_i32 = arith.constant 0 : i32
    %c0_i32_0 = arith.constant 0 : i32
    return %arg0, %c0_i32 : i32, i32
  }
  func.func @transform_8(%arg0: i32) -> (i32, i32) {
    %c0_i32 = arith.constant 0 : i32
    %c0_i32_0 = arith.constant 0 : i32
    %c0_i32_1 = arith.constant 0 : i32
    return %c0_i32, %c0_i32_0 : i32, i32
  }
  func.func @transform_9(%arg0: i32) -> (i32, i32) {
    %c0_i32 = arith.constant 0 : i32
    %c0_i32_0 = arith.constant 0 : i32
    %c0_i32_1 = arith.constant 0 : i32
    return %c0_i32, %c0_i32_0 : i32, i32
  }
  func.func @transform_10(%arg0: i32) -> (i32, i32) {
    %c0_i32 = arith.constant 0 : i32
    %c0_i32_0 = arith.constant 0 : i32
    %c0_i32_1 = arith.constant 0 : i32
    return %c0_i32, %c0_i32_0 : i32, i32
  }
  func.func @transform_11(%arg0: i32) -> (i32, i32) {
    %c0_i32 = arith.constant 0 : i32
    %c0_i32_0 = arith.constant 0 : i32
    %c0_i32_1 = arith.constant 0 : i32
    return %c0_i32, %c0_i32_0 : i32, i32
  }
  func.func @transform_12(%arg0: i32) -> (i32, i32) {
    %c0_i32 = arith.constant 0 : i32
    %c0_i32_0 = arith.constant 0 : i32
    return %arg0, %c0_i32 : i32, i32
  }
}

</mosaic_0001>

<sc_bundles>
// kernel: kernel.12.cloned.1.call-start
scs
__scs_entry_jumppad:
0x0: {  	(pc) =	sbr.rel $0x88, $3  }
0x1: {  	(tag) =	ssettag $0x0;
	lr =	simm.s32 $0x1  }
0x2: {  	[smem:$0x3F97] =	sst lr;
	_ =	strace $0xD0000000  }
0x3: {  	_ = 	snop  }
0x4: {  	_ = 	snop  }
0x5: {  	_ = 	snop  }
0x6: {  	_ = 	snop  }
0x7: {  	_ = 	snop  }
__scs_overlays_trampoline_lowered:
0x8: {  	[smem:$0x3FA6] =	sst s0  }
0x9: {  	[smem:$0x3FA7] =	sst s1  }
0xa: {  	[smem:$0x3FA8] =	sst s2  }
0xb: {  	[smem:$0x3FA9] =	sst s3  }
0xc: {  	[smem:$0x3FAA] =	sst s4  }
0xd: {  	[smem:$0x3FAB] =	sst s5  }
0xe: {  	[smem:$0x3FAC] =	sst s6  }
0xf: {  	[smem:$0x3FAD] =	sst s7  }
0x10: {  	[smem:$0x3FAE] =	sst s8  }
0x11: {  	[smem:$0x3FAF] =	sst s9;
	s0 =	simm.s32 @!p0 $0x0  }
0x12: {  	s1 =	sld [smem:$0x3F95];
	s0 =	simm.s32 @p0 $0x1  }
0x13: {  	[smem:$0x3FB0] =	sst s0;
	s0 =	simm.s32 @!p1 $0x0  }
0x14: {  	s2 =	sld [smem:$0x3F94];
	s0 =	simm.s32 @p1 $0x1  }
0x15: {  	[smem:$0x3FB1] =	sst s0;
	s0 =	simm.s32 @!p2 $0x0  }
0x16: {  	s3 =	sld [smem:$0x3FDB];
	s0 =	simm.s32 @p2 $0x1  }
0x17: {  	s4 =	simm.s32 $0x1BF5;
	[smem:$0x3FB3] =	sst s0  }
0x18: {  	s0 =	sld [smem:$0x3F96];
	_ =	swait.ge [sflag:s4], $0x0  }
0x19: {  	s7 =	sld [smem:$0x3F97]  }
0x1a: {  	s8 =	sadd.s32 $0xFFFFE003, lr  }
0x1b: {  	s9 =	sadd.s32 $0xFFFFFEF7, lr;
	s5 =	simm.s32 $0xFFFFFFFF;
	p2 =	slt.u32 s8, $0xFFFFF086  }
0x1c: {  	p1 =	slt.u32 s9, $0xF7A;
	s5 =	simm.s32 @!p2 $0x0  }
0x1d: {  	s5 =	simm.s32 @p1 $0x1;
	p0 =	seq.s32 s7, s2  }
0x1e: {  	s7 =	smul.u32 @!p0 $0xF7A, s2;
	p2 =	seq.s32 @!p0 s5, $0x0  }
0x1f: {  	s9 =	smul.u32 $0xF7A, s1;
	s8 =	simm.s32 @!p0 $0x1BF5;
	p2 =	por !p2, p0  }
0x20: {  	[sflag:s8] =	ssyncset.s32 @!p0 $0xFFFFF086;
	s6 =	sadd.s32 @!p0 s3, s7;
	s7 =	simm.s32 @!p0 $0x108  }
0x21: {  	s3 =	sadd.s32 s3, s9;
	s6 =	sadd.s32 @!p0 $0x88, s6;
	s7 =	simm.s32 @p2 $0x1082  }
0x22: {  	[simem:s7], [sflag:s8] =	dma.local @!p0 [hbm:s6], $0xF7A  }
0x23: {  	s9 =	sor.u32 $0xD0000000, s2;
	s6 =	simm.s32 $0x108;
	_ =	swait.ge @!p0 [sflag:s8], $0x0  }
0x24: {  	s3 =	sadd.s32 $0x88, s3;
	s6 =	simm.s32 @!p1 $0x1082;
	[sflag:s4] =	ssyncset.s32 $0xFFFFF086  }
0x25: {  	[simem:s6], [sflag:s4] =	dma.local [hbm:s3], $0xF7A  }
0x26: {  	[smem:$0x3F97] =	sst s1;
	(tag) =	ssettag s2;
	_ =	strace s9  }
0x27: {  	s1 =	sld [smem:$0x3FA7]  }
0x28: {  	s2 =	sld [smem:$0x3FA8]  }
0x29: {  	s4 =	sld [smem:$0x3FAA]  }
0x2a: {  	p0 =	seq.s32 s5, $0x0;
	s5 =	sld [smem:$0x3FAB]  }
0x2b: {  	s6 =	sld [smem:$0x3FAC]  }
0x2c: {  	s7 =	sld [smem:$0x3FAD]  }
0x2d: {  	s3 =	simm.s32 $0x108;
	s8 =	sld [smem:$0x3FAE]  }
0x2e: {  	s3 =	simm.s32 @!p0 $0x1082;
	s9 =	sld [smem:$0x3FAF]  }
0x2f: {  	lr =	sadd.s32 s0, s3;
	s0 =	sld [smem:$0x3FA6]  }
0x30: {  	s3 =	sld [smem:$0x3FA9]  }
0x31: {  	[smem:$0x3FB2] =	sst s10  }
0x32: {  	s10 =	sld [smem:$0x3FB0];
	_ =	sdelay $0x3  }
0x33: {  	p0 =	seq.s32 s10, $0x1;
	s10 =	sld [smem:$0x3FB2];
	_ =	sdelay $0x3  }
0x34: {  	[smem:$0x3FB2] =	sst s10  }
0x35: {  	s10 =	sld [smem:$0x3FB1];
	_ =	sdelay $0x3  }
0x36: {  	p1 =	seq.s32 s10, $0x1;
	s10 =	sld [smem:$0x3FB2];
	_ =	sdelay $0x3  }
0x37: {  	[smem:$0x3FB2] =	sst s10  }
0x38: {  	s10 =	sld [smem:$0x3FB3]  }
0x39: {  	_ = 	snop;
	(pc) =	sbr.ind lr, $3  }
0x3a: {  	_ = 	snop  }
0x3b: {  	_ = 	snop  }
0x3c: {  	p2 =	seq.s32 s10, $0x1;
	s10 =	sld [smem:$0x3FB2]  }
0x3d: {  	_ =	shalt  }
0x3e: {  	_ =	shalt  }
0x3f: {  	_ =	shalt  }
0x40: {  	_ =	shalt  }
0x41: {  	_ =	shalt  }
0x42: {  	_ =	shalt  }
0x43: {  	_ =	shalt  }
0x44: {  	_ =	shalt  }
0x45: {  	_ =	shalt  }
0x46: {  	_ =	shalt  }
0x47: {  	_ =	shalt  }
0x48: {  	_ =	shalt  }
0x49: {  	_ =	shalt  }
0x4a: {  	_ =	shalt  }
0x4b: {  	_ =	shalt  }
0x4c: {  	_ =	shalt  }
0x4d: {  	_ =	shalt  }
0x4e: {  	_ =	shalt  }
0x4f: {  	_ =	shalt  }
0x50: {  	_ =	shalt  }
0x51: {  	_ =	shalt  }
0x52: {  	_ =	shalt  }
0x53: {  	_ =	shalt  }
0x54: {  	_ =	shalt  }
0x55: {  	_ =	shalt  }
0x56: {  	_ =	shalt  }
0x57: {  	_ =	shalt  }
0x58: {  	_ =	shalt  }
0x59: {  	_ =	shalt  }
0x5a: {  	_ =	shalt  }
0x5b: {  	_ =	shalt  }
0x5c: {  	_ =	shalt  }
0x5d: {  	_ =	shalt  }
0x5e: {  	_ =	shalt  }
0x5f: {  	_ =	shalt  }
0x60: {  	_ =	shalt  }
0x61: {  	_ =	shalt  }
0x62: {  	_ =	shalt  }
0x63: {  	_ =	shalt  }
0x64: {  	_ =	shalt  }
0x65: {  	_ =	shalt  }
0x66: {  	_ =	shalt  }
0x67: {  	_ =	shalt  }
0x68: {  	_ =	shalt  }
0x69: {  	_ =	shalt  }
0x6a: {  	_ =	shalt  }
0x6b: {  	_ =	shalt  }
0x6c: {  	_ =	shalt  }
0x6d: {  	_ =	shalt  }
0x6e: {  	_ =	shalt  }
0x6f: {  	_ =	shalt  }
0x70: {  	_ =	shalt  }
0x71: {  	_ =	shalt  }
0x72: {  	_ =	shalt  }
0x73: {  	_ =	shalt  }
0x74: {  	_ =	shalt  }
0x75: {  	_ =	shalt  }
0x76: {  	_ =	shalt  }
0x77: {  	_ =	shalt  }
0x78: {  	_ =	shalt  }
0x79: {  	_ =	shalt  }
0x7a: {  	_ =	shalt  }
0x7b: {  	_ =	shalt  }
0x7c: {  	_ =	shalt  }
0x7d: {  	_ =	shalt  }
0x7e: {  	_ =	shalt  }
0x7f: {  	_ =	shalt  }
0x80: {  	_ =	shalt  }
0x81: {  	_ =	shalt  }
0x82: {  	_ =	shalt  }
0x83: {  	_ =	shalt  }
0x84: {  	_ =	shalt  }
0x85: {  	_ =	shalt  }
0x86: {  	_ =	shalt  }
0x87: {  	_ =	shalt  }
.Lfunc_end0:
.L_simem_size_0:
called_computation.1_lowered:
.L_overlay_start_0:
0x88: {  	s2 =	sld [smem:$0x3FD9]  }
0x89: {  	s3 =	sld [smem:$0x3FFE];
	_ =	sdelay $0x1  }
0x8a: {  	s1 =	srdreg.scid  }
0x8b: {  	s0 =	sand.u32 $0x1, s1  }
0x8c: {  	s17 =	sshll.u32 s0, $0xA;
	s2 =	sadd.s32 s3, s2  }
0x8d: {  	s2 =	sadd.s32 s2, s17  }
0x8e: {  	[smem:$0x3FBE] =	sst s2  }
0x8f: {  	_ = 	snop  }
0x90: {  	s2 =	sld [smem:$0x3FD0];
	(tm) =	ssettm $0x1  }
0x91: {  	s18 =	sld [smem:$0x3FFB];
	_ =	sdelay $0x3  }
0x92: {  	_ =	strace s18  }
0x93: {  	s3 =	sld [smem:$0x3FFC];
	_ =	sdelay $0x3  }
0x94: {  	_ =	strace s3  }
0x95: {  	s3 =	sld [smem:$0x3FFD];
	_ =	sdelay $0x3  }
0x96: {  	_ =	strace s3  }
0x97: {  	_ =	strace $0x8FFFFFFF  }
0x98: {  	s19 =	sld [smem:$0x3FDB];
	_ =	sdelay $0x1  }
0x99: {  	s4 =	simm.s32 $_scs_section_size  }
0x9a: {  	s5 =	simm.s32 $_size__tile_overlayer_lowered;
	s6 =	simm.s32 $_tile_overlayer_lowered  }
0x9b: {  	s22 =	simm.s32 $0x1BFF;
	s21 =	sshll.u32 s6, $0x1;
	s3 =	sadd.s32 s4, s19  }
0x9c: {  	s7 =	simm.s32 $0x0;
	s20 =	sshll.u32 s5, $0x1;
	s5 =	sadd.s32 s21, s3  }
0x9d: {  	[timem:s7], [sflag:s22] =	dma.local [hbm:s5], s20  }
0x9e: {  	_ =	swait.ge [sflag:s22], s20  }
0x9f: {  	s4 =	ssub.s32 $0x0, s20;
	[sflag:s22] =	ssyncset.done $0x0  }
0xa0: {  	[sflag:s22] =	ssyncadd.s32 s4;
	_ =	sdelay $0x1  }
0xa1: {  	s23 =	simm.s32 $0x1B8B  }
0xa2: {  	_ =	swait.ge [sflag:s23], $0x1  }
0xa3: {  	[sflag:s23] =	ssyncset.done $0x0  }
0xa4: {  	s25 =	simm.s32 $0x1B8E;
	s24 =	sld [smem:$0x3FFE];
	[sflag:s23] =	ssyncadd.s32 $0xFFFFFFFF  }
0xa5: {  	s26 =	simm.s32 $execute0_lowered;
	[smem:$0x3FD2] =	sst s25  }
0xa6: {  	s5 =	sshll.u32 s26, $0x1;
	_ =	strace $0x80000049;
	[dreg:$0x1] =	wrdreg $0xFFFFFFFF  }
0xa7: {  	s28 =	simm.s32 $_size_execute0_lowered;
	s3 =	sadd.s32 s3, s5;
	[dreg:$0x0] =	wrdreg $0x0  }
0xa8: {  	s5 =	sshll.u32 s28, $0x1;
	[dreg:$0x2] =	wrdreg s3  }
0xa9: {  	[dreg:$0x3] =	wrdreg s5  }
0xaa: {  	[dreg:$0x4] =	wrdreg $0xC0  }
0xab: {  	_ =	task [dreg:s7], $0x5FFFF  }
0xac: {  	[dreg:$0x1] =	wrdreg $0xFFFFFFFF  }
0xad: {  	[dreg:$0x0] =	wrdreg $0x60  }
0xae: {  	[dreg:$0x2] =	wrdreg s24  }
0xaf: {  	[dreg:$0x3] =	wrdreg s2  }
0xb0: {  	[dreg:$0x4] =	wrdreg $0x90000  }
0xb1: {  	[dreg:$0x5] =	wrdreg $0x9  }
0xb2: {  	_ =	task.clear_ibuf [dreg:s7], $0x6FFFF;
	_ =	strace $0x90000049  }
0xb3: {  	s29 =	simm.s32 $0x9;
	_ =	strace $0x8000004B  }
0xb4: {  	_ =	swait.ge [sflag:s29], $0x1  }
0xb5: {  	[sflag:s29] =	ssyncadd.s32 $0xFFFFFFFF  }
0xb6: {  	_ =	strace $0x9000004B  }
0xb7: {  	_ =	sfence  }
0xb8: {  	s30 =	sld [smem:$0x0];
	_ =	sdelay $0x2  }
0xb9: {  	s31 =	sshll.u32 s1, $0xD;
	s1 =	sshrl.u32 s1, $0x2  }
0xba: {  	s3 =	sand.u32 $0x4000, s31;
	s1 =	sadd.s32 s1, s30  }
0xbb: {  	s0 =	sor.u32 s3, s0;
	s1 =	sshll.u32 s1, $0x11  }
0xbc: {  	s0 =	sor.u32 s1, s0  }
0xbd: {  	s0 =	sadd.s32 $0x8F2B, s0  }
0xbe: {  	[sflag:s0] =	ssyncadd.remote.s32 $0x1  }
0xbf: {  	_ =	sfence.sel $0xFFFF  }
0xc0: {  	[dreg:$0x0] =	wrdreg $0xFFFFFFFF;
	(pc) =	sbr.abs _section_cstart, $3  }
0xc1: {  	[dreg:$0x1] =	wrdreg $0xFFFFFFFF  }
0xc2: {  	_ =	task.clear_ibuf [dreg:s7], $0x2FFFF;
	_ =	strace $0x9FFFFFFF  }
0xc3: {  	(tm) =	ssettm $0x7FFFFFFF  }
tec
execute0_lowered:
.L_overlay_start_1:
0x0: {  	(tag) =	ssettag $0x1  }
0x1: {  	s6 =	rddreg [dreg:$0x0]  }
0x2: {  	s1 =	rddreg [dreg:$0x1]  }
0x3: {  	s2 =	rddreg [dreg:$0x2]  }
0x4: {  	s3 =	srdreg.scid;
	s0 =	rddreg [dreg:$0x3];
	s4 =	simm.s32 $0x0  }
0x5: {  	s13 =	simm.s32 $0x5000;
	s14 =	simm.s32 $0x7000;
	s15 =	simm.s32 $0x1  }
0x6: {  	s16 =	simm.s32 $0x2;
	s7 =	sand.u32 $0x1, s3;
	s3 =	stileid.u32  }
0x7: {  	s17 =	simm.s32 $0x0;
	[smem:$0x7FF] =	sst s4;
	s8 =	smul.u32 $0x140000, s7  }
0x8: {  	s5 =	sshll.u32 s7, $0x4;
	s9 =	smul.u32 $0x14000, s3;
	_ =	strace $0x8000004A  }
0x9: {  	s29 =	smul.u32 $0x50000, s3;
	s7 =	ssub.s32 $0x2, s7;
	s5 =	sor.u32 s3, s5  }
0xa: {  	s31 =	sshll.u32 s3, $0x6;
	s30 =	sshrl.u32 s7, $0x1;
	s10 =	smul.u32 $0xA00, s5  }
0xb: {  	s5 =	sadd.s32 $0x17000, s6;
	s8 =	sadd.s32 s9, s8;
	s9 =	sshrl.u32 s29, $0x2  }
0xc: {  	s11 =	ssub.s32 s7, s30;
	s8 =	sshrl.u32 s8, $0x3;
	s12 =	sadd.s32 s9, s2  }
0xd: {  	s9 =	smax.u32 s11, $0x1;
	s11 =	simm.s32 $0x3;
	s10 =	sadd.s32 s10, s6  }
0xe: {  	s8 =	sadd.s32 s8, s6;
	s6 =	sor.u32 $0x1C03, s31;
	s7 =	sadd.s32 $0x3000, s10  }
0xf: {  	s8 =	sadd.s32 $0x8F400, s8;
	s10 =	sshrl.u32 s12, $0x3;
	s12 =	simm.s32 $0x40  }
.LBB2_1:
0x10: {  	[spmem:s10], [sflag:s6] =	dma.local [hbm:s1], $0x2800  }
0x11: {  	_ =	swait.ge [sflag:s11], $0x2800  }
0x12: {  	[sflag:s11] =	ssyncset.done $0x0  }
0x13: {  	[sflag:s11] =	ssyncadd.s32 $0xFFFFD800  }
0x14: {  	[tilespmem:s4], [sflag:$0x3] =	stream.linear.gather [hbm4b:s7+s4], $0x4F80, $0x38;
	[tilespmem:$0x1D000] =	vst v63  }
0x15: {  	_ =	swait.ge [sflag:s11], $0x4F80  }
0x16: {  	[sflag:s11] =	ssyncset.done $0x0  }
0x17: {  	[sflag:s11] =	ssyncadd.s32 $0xFFFFB080  }
0x18: {  	[bflag:$0x0] =	sbarrier.arrive $0xFFFF  }
0x19: {  	[tilespmem:s13], [sflag:$0x1] =	stream.indirect.gather [hbm4b:s5+s12], $0x80, s4, s12, $0xb8;
	[tilespmem:$0x1D000] =	vst v63  }
0x1a: {  	s18 =	simm.s32 $0x80  }
0x1b: {  	[tilespmem:s14], [sflag:$0x2] =	stream.indirect.gather [hbm4b:s5+s12], $0x80, s18, s12, $0xb8;
	[tilespmem:$0x1D000] =	vst v63  }
0x1c: {  	_ =	swait.ge [sflag:s15], $0x2000  }
0x1d: {  	[sflag:s15] =	ssyncset.done $0x0  }
0x1e: {  	s29 =	simm.s32 $0x40;
	[sflag:s15] =	ssyncadd.s32 $0xFFFFE000  }
0x1f: {  	[spmem:s2] =	stream.indirect.scatter.add.f32 [tilespmem:s13], [sflag:$0x3], $0x80, s29, s12, $0xb8;
	[tilespmem:$0x1D000] =	vst v63  }
0x20: {  	_ =	swait.ge [sflag:s11], $0x2000  }
0x21: {  	[sflag:s11] =	ssyncset.done $0x0  }
0x22: {  	s30 =	simm.s32 $0x100;
	[sflag:s11] =	ssyncadd.s32 $0xFFFFE000  }
0x23: {  	[tilespmem:s13], [sflag:$0x1] =	stream.indirect.gather [hbm4b:s5+s12], $0x80, s30, s12, $0xb8;
	[tilespmem:$0x1D000] =	vst v63  }
0x24: {  	_ =	swait.ge [sflag:s16], $0x2000  }
0x25: {  	[sflag:s16] =	ssyncset.done $0x0  }
0x26: {  	s31 =	simm.s32 $0xC0;
	[sflag:s16] =	ssyncadd.s32 $0xFFFFE000  }
0x27: {  	[spmem:s2] =	stream.indirect.scatter.add.f32 [tilespmem:s14], [sflag:$0x3], $0x80, s31, s12, $0xb8;
	[tilespmem:$0x1D000] =	vst v63  }
0x28: {  	_ =	swait.ge [sflag:s11], $0x2000  }
0x29: {  	s19 =	simm.s32 $0xFFFECC00;
	s18 =	simm.s32 $0xFFFFB200;
	[sflag:s11] =	ssyncset.done $0x0  }
.LBB2_2:
0x2a: {  	s20 =	sadd.s32 $0x4F80, s18  }
0x2b: {  	[sflag:s11] =	ssyncadd.s32 $0xFFFFE000;
	s21 =	smov.u32 s19;
	s22 =	sadd.s32 $0x400, s19  }
0x2c: {  	[tilespmem:s14], [sflag:$0x2] =	stream.indirect.gather [hbm4b:s5+s12], $0x80, s20, s12, $0xb8;
	[tilespmem:$0x1D000] =	vst v63  }
0x2d: {  	p0 =	sne.s32 s19, $0xFFFFFC00;
	_ =	swait.ge [sflag:s15], $0x2000  }
0x2e: {  	[sflag:s15] =	ssyncset.done $0x0  }
0x2f: {  	s19 =	sadd.s32 $0x4F40, s18;
	[sflag:s15] =	ssyncadd.s32 $0xFFFFE000  }
0x30: {  	[spmem:s2] =	stream.indirect.scatter.add.f32 [tilespmem:s13], [sflag:$0x3], $0x80, s19, s12, $0xb8;
	[tilespmem:$0x1D000] =	vst v63  }
0x31: {  	_ =	swait.ge [sflag:s11], $0x2000  }
0x32: {  	[sflag:s11] =	ssyncset.done $0x0  }
0x33: {  	s19 =	sadd.s32 $0x5000, s18;
	[sflag:s11] =	ssyncadd.s32 $0xFFFFE000  }
0x34: {  	[tilespmem:s13], [sflag:$0x1] =	stream.indirect.gather [hbm4b:s5+s12], $0x80, s19, s12, $0xb8;
	[tilespmem:$0x1D000] =	vst v63  }
0x35: {  	_ =	swait.ge [sflag:s16], $0x2000  }
.Ltmp0:
0x36: {  	[sflag:s16] =	ssyncset.done $0x0;
	(pc) =	sbr.rel @p0 .LBB2_2-.Ltmp0, $4  }
0x37: {  	s18 =	sadd.s32 $0x4FC0, s18;
	[sflag:s16] =	ssyncadd.s32 $0xFFFFE000  }
0x38: {  	[spmem:s2] =	stream.indirect.scatter.add.f32 [tilespmem:s14], [sflag:$0x3], $0x80, s18, s12, $0xb8;
	[tilespmem:$0x1D000] =	vst v63  }
0x39: {  	_ =	swait.ge [sflag:s11], $0x2000  }
0x3a: {  	s19 =	smov.u32 s22;
	s18 =	sshra.s32 s21, $0x2;
	[sflag:s11] =	ssyncset.done $0x0  }
0x3b: {  	s19 =	sadd.s32 $0x4F80, s18;
	[sflag:s11] =	ssyncadd.s32 $0xFFFFE000  }
0x3c: {  	[tilespmem:s14], [sflag:$0x2] =	stream.indirect.gather [hbm4b:s5+s12], $0x80, s19, s12, $0xb8;
	[tilespmem:$0x1D000] =	vst v63  }
0x3d: {  	_ =	swait.ge [sflag:s15], $0x2000  }
0x3e: {  	[sflag:s15] =	ssyncset.done $0x0  }
0x3f: {  	s29 =	sadd.s32 $0x4F40, s18;
	[sflag:s15] =	ssyncadd.s32 $0xFFFFE000  }
0x40: {  	[spmem:s2] =	stream.indirect.scatter.add.f32 [tilespmem:s13], [sflag:$0x3], $0x80, s29, s12, $0xb8;
	[tilespmem:$0x1D000] =	vst v63  }
0x41: {  	_ =	swait.ge [sflag:s11], $0x2000  }
0x42: {  	[sflag:s11] =	ssyncset.done $0x0  }
0x43: {  	s30 =	sadd.s32 $0x5000, s18;
	[sflag:s11] =	ssyncadd.s32 $0xFFFFE000  }
0x44: {  	[tilespmem:s13], [sflag:$0x1] =	stream.indirect.gather [hbm4b:s5+s12], $0x80, s30, s12, $0xb8;
	[tilespmem:$0x1D000] =	vst v63  }
0x45: {  	_ =	swait.ge [sflag:s16], $0x2000  }
0x46: {  	[sflag:s16] =	ssyncset.done $0x0  }
0x47: {  	s31 =	sadd.s32 $0x4FC0, s18;
	[sflag:s16] =	ssyncadd.s32 $0xFFFFE000  }
0x48: {  	[spmem:s2] =	stream.indirect.scatter.add.f32 [tilespmem:s14], [sflag:$0x3], $0x80, s31, s12, $0xb8;
	[tilespmem:$0x1D000] =	vst v63  }
0x49: {  	_ =	swait.ge [sflag:s11], $0x2000  }
0x4a: {  	[sflag:s11] =	ssyncset.done $0x0  }
0x4b: {  	[sflag:s11] =	ssyncadd.s32 $0xFFFFE000  }
0x4c: {  	_ =	swait.ge [sflag:s15], $0x2000  }
0x4d: {  	s17 =	sadd.s32 $0x1, s17;
	[sflag:s15] =	ssyncset.done $0x0  }
0x4e: {  	p0 =	sne.s32 s17, s9;
	[sflag:s15] =	ssyncadd.s32 $0xFFFFE000  }
.Ltmp1:
0x4f: {  	[bflag:$0x0] =	sbarrier.arrive $0xFFFF;
	(pc) =	sbr.rel @p0 .LBB2_1-.Ltmp1, $4  }
0x50: {  	[hbm:s8], [sflag:s6] =	dma.local [spmem:s10], $0x2800  }
0x51: {  	_ =	swait.ge [sflag:s11], $0x2800  }
0x52: {  	[sflag:s11] =	ssyncset.done $0x0  }
0x53: {  	[sflag:s11] =	ssyncadd.s32 $0xFFFFD800  }
0x54: {  	_ =	sfence.sel $0x180000  }
0x55: {  	[bflag:$0x0] =	sbarrier.arrive $0xFFFF  }
0x56: {  	p0 =	sne.s32 s3, $0x0;
	_ =	strace $0x9000004A  }
0x57: {  	s0 =	sadd.s32 @!p0 $0x100000, s0;
	[bflag:$0x2] =	sbarrier.arrive $0xFFFF  }
0x58: {  	[sflag:s0] =	ssyncadd.tile.s32 @!p0 $0x1;
	_ =	shalt  }
.Lfunc_end2:
_tile_overlayer_lowered:
.L_overlay_start_2:
0x59: {  	(tag) =	ssettag $0x2  }
0x5a: {  	s0 =	rddreg [dreg:$0x0];
	s2 =	stileid.u32  }
0x5b: {  	s1 =	rddreg [dreg:$0x1];
	p0 =	sne.s32 s2, $0x0  }
0x5c: {  	s3 =	rddreg [dreg:$0x2];
	[bflag:$0x3] =	sbarrier.arrive $0xFFFF;
	s2 =	simm.s32 @!p0 $0x1C03  }
0x5d: {  	[timem:s3], [sflag:s2] =	dma.local @!p0 [hbm:s0], s1  }
0x5e: {  	s0 =	simm.s32 @!p0 $0x3  }
0x5f: {  	_ =	swait.ge @!p0 [sflag:s0], s1  }
0x60: {  	s1 =	ssub.s32 @!p0 $0x0, s1;
	[sflag:s0] =	ssyncset.done @!p0 $0x0  }
0x61: {  	[sflag:s0] =	ssyncadd.s32 @!p0 s1  }
0x62: {  	[bflag:$0x3] =	sbarrier.arrive $0xFFFF  }
0x63: {  	_ =	shalt  }

// kernel: kernel.15.cloned.1.call-start
scs
__scs_entry_jumppad:
0x0: {  	(pc) =	sbr.rel $0x88, $3  }
0x1: {  	(tag) =	ssettag $0x0;
	lr =	simm.s32 $0x1  }
0x2: {  	[smem:$0x3F97] =	sst lr;
	_ =	strace $0xD0000000  }
0x3: {  	_ = 	snop  }
0x4: {  	_ = 	snop  }
0x5: {  	_ = 	snop  }
0x6: {  	_ = 	snop  }
0x7: {  	_ = 	snop  }
__scs_overlays_trampoline_lowered:
0x8: {  	[smem:$0x3FA6] =	sst s0  }
0x9: {  	[smem:$0x3FA7] =	sst s1  }
0xa: {  	[smem:$0x3FA8] =	sst s2  }
0xb: {  	[smem:$0x3FA9] =	sst s3  }
0xc: {  	[smem:$0x3FAA] =	sst s4  }
0xd: {  	[smem:$0x3FAB] =	sst s5  }
0xe: {  	[smem:$0x3FAC] =	sst s6  }
0xf: {  	[smem:$0x3FAD] =	sst s7  }
0x10: {  	[smem:$0x3FAE] =	sst s8  }
0x11: {  	[smem:$0x3FAF] =	sst s9;
	s0 =	simm.s32 @!p0 $0x0  }
0x12: {  	s1 =	sld [smem:$0x3F95];
	s0 =	simm.s32 @p0 $0x1  }
0x13: {  	[smem:$0x3FB0] =	sst s0;
	s0 =	simm.s32 @!p1 $0x0  }
0x14: {  	s2 =	sld [smem:$0x3F94];
	s0 =	simm.s32 @p1 $0x1  }
0x15: {  	[smem:$0x3FB1] =	sst s0;
	s0 =	simm.s32 @!p2 $0x0  }
0x16: {  	s3 =	sld [smem:$0x3FDB];
	s0 =	simm.s32 @p2 $0x1  }
0x17: {  	s4 =	simm.s32 $0x1BF5;
	[smem:$0x3FB3] =	sst s0  }
0x18: {  	s0 =	sld [smem:$0x3F96];
	_ =	swait.ge [sflag:s4], $0x0  }
0x19: {  	s7 =	sld [smem:$0x3F97]  }
0x1a: {  	s8 =	sadd.s32 $0xFFFFE003, lr  }
0x1b: {  	s9 =	sadd.s32 $0xFFFFFEF7, lr;
	s5 =	simm.s32 $0xFFFFFFFF;
	p2 =	slt.u32 s8, $0xFFFFF086  }
0x1c: {  	p1 =	slt.u32 s9, $0xF7A;
	s5 =	simm.s32 @!p2 $0x0  }
0x1d: {  	s5 =	simm.s32 @p1 $0x1;
	p0 =	seq.s32 s7, s2  }
0x1e: {  	s7 =	smul.u32 @!p0 $0xF7A, s2;
	p2 =	seq.s32 @!p0 s5, $0x0  }
0x1f: {  	s9 =	smul.u32 $0xF7A, s1;
	s8 =	simm.s32 @!p0 $0x1BF5;
	p2 =	por !p2, p0  }
0x20: {  	[sflag:s8] =	ssyncset.s32 @!p0 $0xFFFFF086;
	s6 =	sadd.s32 @!p0 s3, s7;
	s7 =	simm.s32 @!p0 $0x108  }
0x21: {  	s3 =	sadd.s32 s3, s9;
	s6 =	sadd.s32 @!p0 $0x88, s6;
	s7 =	simm.s32 @p2 $0x1082  }
0x22: {  	[simem:s7], [sflag:s8] =	dma.local @!p0 [hbm:s6], $0xF7A  }
0x23: {  	s9 =	sor.u32 $0xD0000000, s2;
	s6 =	simm.s32 $0x108;
	_ =	swait.ge @!p0 [sflag:s8], $0x0  }
0x24: {  	s3 =	sadd.s32 $0x88, s3;
	s6 =	simm.s32 @!p1 $0x1082;
	[sflag:s4] =	ssyncset.s32 $0xFFFFF086  }
0x25: {  	[simem:s6], [sflag:s4] =	dma.local [hbm:s3], $0xF7A  }
0x26: {  	[smem:$0x3F97] =	sst s1;
	(tag) =	ssettag s2;
	_ =	strace s9  }
0x27: {  	s1 =	sld [smem:$0x3FA7]  }
0x28: {  	s2 =	sld [smem:$0x3FA8]  }
0x29: {  	s4 =	sld [smem:$0x3FAA]  }
0x2a: {  	p0 =	seq.s32 s5, $0x0;
	s5 =	sld [smem:$0x3FAB]  }
0x2b: {  	s6 =	sld [smem:$0x3FAC]  }
0x2c: {  	s7 =	sld [smem:$0x3FAD]  }
0x2d: {  	s3 =	simm.s32 $0x108;
	s8 =	sld [smem:$0x3FAE]  }
0x2e: {  	s3 =	simm.s32 @!p0 $0x1082;
	s9 =	sld [smem:$0x3FAF]  }
0x2f: {  	lr =	sadd.s32 s0, s3;
	s0 =	sld [smem:$0x3FA6]  }
0x30: {  	s3 =	sld [smem:$0x3FA9]  }
0x31: {  	[smem:$0x3FB2] =	sst s10  }
0x32: {  	s10 =	sld [smem:$0x3FB0];
	_ =	sdelay $0x3  }
0x33: {  	p0 =	seq.s32 s10, $0x1;
	s10 =	sld [smem:$0x3FB2];
	_ =	sdelay $0x3  }
0x34: {  	[smem:$0x3FB2] =	sst s10  }
0x35: {  	s10 =	sld [smem:$0x3FB1];
	_ =	sdelay $0x3  }
0x36: {  	p1 =	seq.s32 s10, $0x1;
	s10 =	sld [smem:$0x3FB2];
	_ =	sdelay $0x3  }
0x37: {  	[smem:$0x3FB2] =	sst s10  }
0x38: {  	s10 =	sld [smem:$0x3FB3]  }
0x39: {  	_ = 	snop;
	(pc) =	sbr.ind lr, $3  }
0x3a: {  	_ = 	snop  }
0x3b: {  	_ = 	snop  }
0x3c: {  	p2 =	seq.s32 s10, $0x1;
	s10 =	sld [smem:$0x3FB2]  }
0x3d: {  	_ =	shalt  }
0x3e: {  	_ =	shalt  }
0x3f: {  	_ =	shalt  }
0x40: {  	_ =	shalt  }
0x41: {  	_ =	shalt  }
0x42: {  	_ =	shalt  }
0x43: {  	_ =	shalt  }
0x44: {  	_ =	shalt  }
0x45: {  	_ =	shalt  }
0x46: {  	_ =	shalt  }
0x47: {  	_ =	shalt  }
0x48: {  	_ =	shalt  }
0x49: {  	_ =	shalt  }
0x4a: {  	_ =	shalt  }
0x4b: {  	_ =	shalt  }
0x4c: {  	_ =	shalt  }
0x4d: {  	_ =	shalt  }
0x4e: {  	_ =	shalt  }
0x4f: {  	_ =	shalt  }
0x50: {  	_ =	shalt  }
0x51: {  	_ =	shalt  }
0x52: {  	_ =	shalt  }
0x53: {  	_ =	shalt  }
0x54: {  	_ =	shalt  }
0x55: {  	_ =	shalt  }
0x56: {  	_ =	shalt  }
0x57: {  	_ =	shalt  }
0x58: {  	_ =	shalt  }
0x59: {  	_ =	shalt  }
0x5a: {  	_ =	shalt  }
0x5b: {  	_ =	shalt  }
0x5c: {  	_ =	shalt  }
0x5d: {  	_ =	shalt  }
0x5e: {  	_ =	shalt  }
0x5f: {  	_ =	shalt  }
0x60: {  	_ =	shalt  }
0x61: {  	_ =	shalt  }
0x62: {  	_ =	shalt  }
0x63: {  	_ =	shalt  }
0x64: {  	_ =	shalt  }
0x65: {  	_ =	shalt  }
0x66: {  	_ =	shalt  }
0x67: {  	_ =	shalt  }
0x68: {  	_ =	shalt  }
0x69: {  	_ =	shalt  }
0x6a: {  	_ =	shalt  }
0x6b: {  	_ =	shalt  }
0x6c: {  	_ =	shalt  }
0x6d: {  	_ =	shalt  }
0x6e: {  	_ =	shalt  }
0x6f: {  	_ =	shalt  }
0x70: {  	_ =	shalt  }
0x71: {  	_ =	shalt  }
0x72: {  	_ =	shalt  }
0x73: {  	_ =	shalt  }
0x74: {  	_ =	shalt  }
0x75: {  	_ =	shalt  }
0x76: {  	_ =	shalt  }
0x77: {  	_ =	shalt  }
0x78: {  	_ =	shalt  }
0x79: {  	_ =	shalt  }
0x7a: {  	_ =	shalt  }
0x7b: {  	_ =	shalt  }
0x7c: {  	_ =	shalt  }
0x7d: {  	_ =	shalt  }
0x7e: {  	_ =	shalt  }
0x7f: {  	_ =	shalt  }
0x80: {  	_ =	shalt  }
0x81: {  	_ =	shalt  }
0x82: {  	_ =	shalt  }
0x83: {  	_ =	shalt  }
0x84: {  	_ =	shalt  }
0x85: {  	_ =	shalt  }
0x86: {  	_ =	shalt  }
0x87: {  	_ =	shalt  }
.Lfunc_end0:
.L_simem_size_0:
called_computation.2_lowered:
.L_overlay_start_0:
0x88: {  	s2 =	sld [smem:$0x3FD9]  }
0x89: {  	s3 =	sld [smem:$0x3FFE];
	_ =	sdelay $0x1  }
0x8a: {  	s1 =	srdreg.scid  }
0x8b: {  	s0 =	sand.u32 $0x1, s1  }
0x8c: {  	s17 =	sshll.u32 s0, $0xA;
	s2 =	sadd.s32 s3, s2  }
0x8d: {  	s2 =	sadd.s32 s2, s17  }
0x8e: {  	[smem:$0x3FBE] =	sst s2  }
0x8f: {  	_ = 	snop  }
0x90: {  	s2 =	sld [smem:$0x3FD0];
	(tm) =	ssettm $0x1  }
0x91: {  	s18 =	sld [smem:$0x3FFB];
	_ =	sdelay $0x3  }
0x92: {  	_ =	strace s18  }
0x93: {  	s3 =	sld [smem:$0x3FFC];
	_ =	sdelay $0x3  }
0x94: {  	_ =	strace s3  }
0x95: {  	s3 =	sld [smem:$0x3FFD];
	_ =	sdelay $0x3  }
0x96: {  	_ =	strace s3  }
0x97: {  	_ =	strace $0x8FFFFFFF  }
0x98: {  	s19 =	sld [smem:$0x3FDB];
	_ =	sdelay $0x1  }
0x99: {  	s4 =	simm.s32 $_scs_section_size  }
0x9a: {  	s5 =	simm.s32 $_size__tile_overlayer_lowered;
	s6 =	simm.s32 $_tile_overlayer_lowered  }
0x9b: {  	s22 =	simm.s32 $0x1BFF;
	s21 =	sshll.u32 s6, $0x1;
	s3 =	sadd.s32 s4, s19  }
0x9c: {  	s7 =	simm.s32 $0x0;
	s20 =	sshll.u32 s5, $0x1;
	s5 =	sadd.s32 s21, s3  }
0x9d: {  	[timem:s7], [sflag:s22] =	dma.local [hbm:s5], s20  }
0x9e: {  	_ =	swait.ge [sflag:s22], s20  }
0x9f: {  	s4 =	ssub.s32 $0x0, s20;
	[sflag:s22] =	ssyncset.done $0x0  }
0xa0: {  	[sflag:s22] =	ssyncadd.s32 s4;
	_ =	sdelay $0x1  }
0xa1: {  	s23 =	simm.s32 $0x1B8B  }
0xa2: {  	_ =	swait.ge [sflag:s23], $0x1  }
0xa3: {  	[sflag:s23] =	ssyncset.done $0x0  }
0xa4: {  	s25 =	simm.s32 $0x1B8E;
	s24 =	sld [smem:$0x3FFE];
	[sflag:s23] =	ssyncadd.s32 $0xFFFFFFFF  }
0xa5: {  	s26 =	simm.s32 $execute0_lowered;
	[smem:$0x3FD2] =	sst s25  }
0xa6: {  	s5 =	sshll.u32 s26, $0x1;
	_ =	strace $0x8000004C;
	[dreg:$0x1] =	wrdreg $0xFFFFFFFF  }
0xa7: {  	s28 =	simm.s32 $_size_execute0_lowered;
	s3 =	sadd.s32 s3, s5;
	[dreg:$0x0] =	wrdreg $0x0  }
0xa8: {  	s5 =	sshll.u32 s28, $0x1;
	[dreg:$0x2] =	wrdreg s3  }
0xa9: {  	[dreg:$0x3] =	wrdreg s5  }
0xaa: {  	[dreg:$0x4] =	wrdreg $0xC0  }
0xab: {  	_ =	task [dreg:s7], $0x5FFFF  }
0xac: {  	[dreg:$0x1] =	wrdreg $0xFFFFFFFF  }
0xad: {  	[dreg:$0x0] =	wrdreg $0x60  }
0xae: {  	[dreg:$0x2] =	wrdreg s24  }
0xaf: {  	[dreg:$0x3] =	wrdreg s2  }
0xb0: {  	[dreg:$0x4] =	wrdreg $0x90000  }
0xb1: {  	[dreg:$0x5] =	wrdreg $0x9  }
0xb2: {  	_ =	task.clear_ibuf [dreg:s7], $0x6FFFF;
	_ =	strace $0x9000004C  }
0xb3: {  	s29 =	simm.s32 $0x9;
	_ =	strace $0x8000004E  }
0xb4: {  	_ =	swait.ge [sflag:s29], $0x1  }
0xb5: {  	[sflag:s29] =	ssyncadd.s32 $0xFFFFFFFF  }
0xb6: {  	_ =	strace $0x9000004E  }
0xb7: {  	_ =	sfence  }
0xb8: {  	s30 =	sld [smem:$0x0];
	_ =	sdelay $0x2  }
0xb9: {  	s31 =	sshll.u32 s1, $0xD;
	s1 =	sshrl.u32 s1, $0x2  }
0xba: {  	s3 =	sand.u32 $0x4000, s31;
	s1 =	sadd.s32 s1, s30  }
0xbb: {  	s0 =	sor.u32 s3, s0;
	s1 =	sshll.u32 s1, $0x11  }
0xbc: {  	s0 =	sor.u32 s1, s0  }
0xbd: {  	s0 =	sadd.s32 $0x8F2B, s0  }
0xbe: {  	[sflag:s0] =	ssyncadd.remote.s32 $0x1  }
0xbf: {  	_ =	sfence.sel $0xFFFF  }
0xc0: {  	[dreg:$0x0] =	wrdreg $0xFFFFFFFF;
	(pc) =	sbr.abs _section_cstart, $3  }
0xc1: {  	[dreg:$0x1] =	wrdreg $0xFFFFFFFF  }
0xc2: {  	_ =	task.clear_ibuf [dreg:s7], $0x2FFFF;
	_ =	strace $0x9FFFFFFF  }
0xc3: {  	(tm) =	ssettm $0x7FFFFFFF  }
tec
execute0_lowered:
.L_overlay_start_1:
0x0: {  	(tag) =	ssettag $0x1  }
0x1: {  	s6 =	rddreg [dreg:$0x0]  }
0x2: {  	s1 =	rddreg [dreg:$0x1]  }
0x3: {  	s2 =	rddreg [dreg:$0x2]  }
0x4: {  	s3 =	srdreg.scid;
	s0 =	rddreg [dreg:$0x3];
	s4 =	simm.s32 $0x0  }
0x5: {  	s13 =	simm.s32 $0x5000;
	s14 =	simm.s32 $0x7000;
	s15 =	simm.s32 $0x1  }
0x6: {  	s16 =	simm.s32 $0x2;
	s7 =	sand.u32 $0x1, s3;
	s3 =	stileid.u32  }
0x7: {  	s17 =	simm.s32 $0x0;
	[smem:$0x7FF] =	sst s4;
	s8 =	smul.u32 $0x140000, s7  }
0x8: {  	s5 =	sshll.u32 s7, $0x4;
	s9 =	smul.u32 $0x14000, s3;
	_ =	strace $0x8000004D  }
0x9: {  	s29 =	smul.u32 $0x50000, s3;
	s7 =	ssub.s32 $0x2, s7;
	s5 =	sor.u32 s3, s5  }
0xa: {  	s31 =	sshll.u32 s3, $0x6;
	s30 =	sshrl.u32 s7, $0x1;
	s10 =	smul.u32 $0xA00, s5  }
0xb: {  	s5 =	sadd.s32 $0x17000, s6;
	s8 =	sadd.s32 s9, s8;
	s9 =	sshrl.u32 s29, $0x2  }
0xc: {  	s11 =	ssub.s32 s7, s30;
	s8 =	sshrl.u32 s8, $0x3;
	s12 =	sadd.s32 s9, s2  }
0xd: {  	s9 =	smax.u32 s11, $0x1;
	s11 =	simm.s32 $0x3;
	s10 =	sadd.s32 s10, s6  }
0xe: {  	s8 =	sadd.s32 s8, s6;
	s6 =	sor.u32 $0x1C03, s31;
	s7 =	sadd.s32 $0x3000, s10  }
0xf: {  	s8 =	sadd.s32 $0x8F400, s8;
	s10 =	sshrl.u32 s12, $0x3;
	s12 =	simm.s32 $0x40  }
.LBB2_1:
0x10: {  	[spmem:s10], [sflag:s6] =	dma.local [hbm:s1], $0x2800  }
0x11: {  	_ =	swait.ge [sflag:s11], $0x2800  }
0x12: {  	[sflag:s11] =	ssyncset.done $0x0  }
0x13: {  	[sflag:s11] =	ssyncadd.s32 $0xFFFFD800  }
0x14: {  	[tilespmem:s4], [sflag:$0x3] =	stream.linear.gather [hbm4b:s7+s4], $0x4F80, $0x38;
	[tilespmem:$0x1D000] =	vst v63  }
0x15: {  	_ =	swait.ge [sflag:s11], $0x4F80  }
0x16: {  	[sflag:s11] =	ssyncset.done $0x0  }
0x17: {  	[sflag:s11] =	ssyncadd.s32 $0xFFFFB080  }
0x18: {  	[bflag:$0x0] =	sbarrier.arrive $0xFFFF  }
0x19: {  	[tilespmem:s13], [sflag:$0x1] =	stream.indirect.gather [hbm4b:s5+s12], $0x80, s4, s12, $0xb8;
	[tilespmem:$0x1D000] =	vst v63  }
0x1a: {  	s18 =	simm.s32 $0x80  }
0x1b: {  	[tilespmem:s14], [sflag:$0x2] =	stream.indirect.gather [hbm4b:s5+s12], $0x80, s18, s12, $0xb8;
	[tilespmem:$0x1D000] =	vst v63  }
0x1c: {  	_ =	swait.ge [sflag:s15], $0x2000  }
0x1d: {  	[sflag:s15] =	ssyncset.done $0x0  }
0x1e: {  	s29 =	simm.s32 $0x40;
	[sflag:s15] =	ssyncadd.s32 $0xFFFFE000  }
0x1f: {  	[spmem:s2] =	stream.indirect.scatter.add.f32 [tilespmem:s13], [sflag:$0x3], $0x80, s29, s12, $0xb8;
	[tilespmem:$0x1D000] =	vst v63  }
0x20: {  	_ =	swait.ge [sflag:s11], $0x2000  }
0x21: {  	[sflag:s11] =	ssyncset.done $0x0  }
0x22: {  	s30 =	simm.s32 $0x100;
	[sflag:s11] =	ssyncadd.s32 $0xFFFFE000  }
0x23: {  	[tilespmem:s13], [sflag:$0x1] =	stream.indirect.gather [hbm4b:s5+s12], $0x80, s30, s12, $0xb8;
	[tilespmem:$0x1D000] =	vst v63  }
0x24: {  	_ =	swait.ge [sflag:s16], $0x2000  }
0x25: {  	[sflag:s16] =	ssyncset.done $0x0  }
0x26: {  	s31 =	simm.s32 $0xC0;
	[sflag:s16] =	ssyncadd.s32 $0xFFFFE000  }
0x27: {  	[spmem:s2] =	stream.indirect.scatter.add.f32 [tilespmem:s14], [sflag:$0x3], $0x80, s31, s12, $0xb8;
	[tilespmem:$0x1D000] =	vst v63  }
0x28: {  	_ =	swait.ge [sflag:s11], $0x2000  }
0x29: {  	s19 =	simm.s32 $0xFFFECC00;
	s18 =	simm.s32 $0xFFFFB200;
	[sflag:s11] =	ssyncset.done $0x0  }
.LBB2_2:
0x2a: {  	s20 =	sadd.s32 $0x4F80, s18  }
0x2b: {  	[sflag:s11] =	ssyncadd.s32 $0xFFFFE000;
	s21 =	smov.u32 s19;
	s22 =	sadd.s32 $0x400, s19  }
0x2c: {  	[tilespmem:s14], [sflag:$0x2] =	stream.indirect.gather [hbm4b:s5+s12], $0x80, s20, s12, $0xb8;
	[tilespmem:$0x1D000] =	vst v63  }
0x2d: {  	p0 =	sne.s32 s19, $0xFFFFFC00;
	_ =	swait.ge [sflag:s15], $0x2000  }
0x2e: {  	[sflag:s15] =	ssyncset.done $0x0  }
0x2f: {  	s19 =	sadd.s32 $0x4F40, s18;
	[sflag:s15] =	ssyncadd.s32 $0xFFFFE000  }
0x30: {  	[spmem:s2] =	stream.indirect.scatter.add.f32 [tilespmem:s13], [sflag:$0x3], $0x80, s19, s12, $0xb8;
	[tilespmem:$0x1D000] =	vst v63  }
0x31: {  	_ =	swait.ge [sflag:s11], $0x2000  }
0x32: {  	[sflag:s11] =	ssyncset.done $0x0  }
0x33: {  	s19 =	sadd.s32 $0x5000, s18;
	[sflag:s11] =	ssyncadd.s32 $0xFFFFE000  }
0x34: {  	[tilespmem:s13], [sflag:$0x1] =	stream.indirect.gather [hbm4b:s5+s12], $0x80, s19, s12, $0xb8;
	[tilespmem:$0x1D000] =	vst v63  }
0x35: {  	_ =	swait.ge [sflag:s16], $0x2000  }
.Ltmp0:
0x36: {  	[sflag:s16] =	ssyncset.done $0x0;
	(pc) =	sbr.rel @p0 .LBB2_2-.Ltmp0, $4  }
0x37: {  	s18 =	sadd.s32 $0x4FC0, s18;
	[sflag:s16] =	ssyncadd.s32 $0xFFFFE000  }
0x38: {  	[spmem:s2] =	stream.indirect.scatter.add.f32 [tilespmem:s14], [sflag:$0x3], $0x80, s18, s12, $0xb8;
	[tilespmem:$0x1D000] =	vst v63  }
0x39: {  	_ =	swait.ge [sflag:s11], $0x2000  }
0x3a: {  	s19 =	smov.u32 s22;
	s18 =	sshra.s32 s21, $0x2;
	[sflag:s11] =	ssyncset.done $0x0  }
0x3b: {  	s19 =	sadd.s32 $0x4F80, s18;
	[sflag:s11] =	ssyncadd.s32 $0xFFFFE000  }
0x3c: {  	[tilespmem:s14], [sflag:$0x2] =	stream.indirect.gather [hbm4b:s5+s12], $0x80, s19, s12, $0xb8;
	[tilespmem:$0x1D000] =	vst v63  }
0x3d: {  	_ =	swait.ge [sflag:s15], $0x2000  }
0x3e: {  	[sflag:s15] =	ssyncset.done $0x0  }
0x3f: {  	s29 =	sadd.s32 $0x4F40, s18;
	[sflag:s15] =	ssyncadd.s32 $0xFFFFE000  }
0x40: {  	[spmem:s2] =	stream.indirect.scatter.add.f32 [tilespmem:s13], [sflag:$0x3], $0x80, s29, s12, $0xb8;
	[tilespmem:$0x1D000] =	vst v63  }
0x41: {  	_ =	swait.ge [sflag:s11], $0x2000  }
0x42: {  	[sflag:s11] =	ssyncset.done $0x0  }
0x43: {  	s30 =	sadd.s32 $0x5000, s18;
	[sflag:s11] =	ssyncadd.s32 $0xFFFFE000  }
0x44: {  	[tilespmem:s13], [sflag:$0x1] =	stream.indirect.gather [hbm4b:s5+s12], $0x80, s30, s12, $0xb8;
	[tilespmem:$0x1D000] =	vst v63  }
0x45: {  	_ =	swait.ge [sflag:s16], $0x2000  }
0x46: {  	[sflag:s16] =	ssyncset.done $0x0  }
0x47: {  	s31 =	sadd.s32 $0x4FC0, s18;
	[sflag:s16] =	ssyncadd.s32 $0xFFFFE000  }
0x48: {  	[spmem:s2] =	stream.indirect.scatter.add.f32 [tilespmem:s14], [sflag:$0x3], $0x80, s31, s12, $0xb8;
	[tilespmem:$0x1D000] =	vst v63  }
0x49: {  	_ =	swait.ge [sflag:s11], $0x2000  }
0x4a: {  	[sflag:s11] =	ssyncset.done $0x0  }
0x4b: {  	[sflag:s11] =	ssyncadd.s32 $0xFFFFE000  }
0x4c: {  	_ =	swait.ge [sflag:s15], $0x2000  }
0x4d: {  	s17 =	sadd.s32 $0x1, s17;
	[sflag:s15] =	ssyncset.done $0x0  }
0x4e: {  	p0 =	sne.s32 s17, s9;
	[sflag:s15] =	ssyncadd.s32 $0xFFFFE000  }
.Ltmp1:
0x4f: {  	[bflag:$0x0] =	sbarrier.arrive $0xFFFF;
	(pc) =	sbr.rel @p0 .LBB2_1-.Ltmp1, $4  }
0x50: {  	[hbm:s8], [sflag:s6] =	dma.local [spmem:s10], $0x2800  }
0x51: {  	_ =	swait.ge [sflag:s11], $0x2800  }
0x52: {  	[sflag:s11] =	ssyncset.done $0x0  }
0x53: {  	[sflag:s11] =	ssyncadd.s32 $0xFFFFD800  }
0x54: {  	_ =	sfence.sel $0x180000  }
0x55: {  	[bflag:$0x0] =	sbarrier.arrive $0xFFFF  }
0x56: {  	p0 =	sne.s32 s3, $0x0;
	_ =	strace $0x9000004D  }
0x57: {  	s0 =	sadd.s32 @!p0 $0x100000, s0;
	[bflag:$0x2] =	sbarrier.arrive $0xFFFF  }
0x58: {  	[sflag:s0] =	ssyncadd.tile.s32 @!p0 $0x1;
	_ =	shalt  }
.Lfunc_end2:
_tile_overlayer_lowered:
.L_overlay_start_2:
0x59: {  	(tag) =	ssettag $0x2  }
0x5a: {  	s0 =	rddreg [dreg:$0x0];
	s2 =	stileid.u32  }
0x5b: {  	s1 =	rddreg [dreg:$0x1];
	p0 =	sne.s32 s2, $0x0  }
0x5c: {  	s3 =	rddreg [dreg:$0x2];
	[bflag:$0x3] =	sbarrier.arrive $0xFFFF;
	s2 =	simm.s32 @!p0 $0x1C03  }
0x5d: {  	[timem:s3], [sflag:s2] =	dma.local @!p0 [hbm:s0], s1  }
0x5e: {  	s0 =	simm.s32 @!p0 $0x3  }
0x5f: {  	_ =	swait.ge @!p0 [sflag:s0], s1  }
0x60: {  	s1 =	ssub.s32 @!p0 $0x0, s1;
	[sflag:s0] =	ssyncset.done @!p0 $0x0  }
0x61: {  	[sflag:s0] =	ssyncadd.s32 @!p0 s1  }
0x62: {  	[bflag:$0x3] =	sbarrier.arrive $0xFFFF  }
0x63: {  	_ =	shalt  }

// kernel: kernel.9.cloned.1.call-start
scs
__scs_entry_jumppad:
0x0: {  	(pc) =	sbr.rel $0x88, $3  }
0x1: {  	(tag) =	ssettag $0x0;
	lr =	simm.s32 $0x1  }
0x2: {  	[smem:$0x3F97] =	sst lr;
	_ =	strace $0xD0000000  }
0x3: {  	_ = 	snop  }
0x4: {  	_ = 	snop  }
0x5: {  	_ = 	snop  }
0x6: {  	_ = 	snop  }
0x7: {  	_ = 	snop  }
__scs_overlays_trampoline_lowered:
0x8: {  	[smem:$0x3FA6] =	sst s0  }
0x9: {  	[smem:$0x3FA7] =	sst s1  }
0xa: {  	[smem:$0x3FA8] =	sst s2  }
0xb: {  	[smem:$0x3FA9] =	sst s3  }
0xc: {  	[smem:$0x3FAA] =	sst s4  }
0xd: {  	[smem:$0x3FAB] =	sst s5  }
0xe: {  	[smem:$0x3FAC] =	sst s6  }
0xf: {  	[smem:$0x3FAD] =	sst s7  }
0x10: {  	[smem:$0x3FAE] =	sst s8  }
0x11: {  	[smem:$0x3FAF] =	sst s9;
	s0 =	simm.s32 @!p0 $0x0  }
0x12: {  	s1 =	sld [smem:$0x3F95];
	s0 =	simm.s32 @p0 $0x1  }
0x13: {  	[smem:$0x3FB0] =	sst s0;
	s0 =	simm.s32 @!p1 $0x0  }
0x14: {  	s2 =	sld [smem:$0x3F94];
	s0 =	simm.s32 @p1 $0x1  }
0x15: {  	[smem:$0x3FB1] =	sst s0;
	s0 =	simm.s32 @!p2 $0x0  }
0x16: {  	s3 =	sld [smem:$0x3FDB];
	s0 =	simm.s32 @p2 $0x1  }
0x17: {  	s4 =	simm.s32 $0x1BF5;
	[smem:$0x3FB3] =	sst s0  }
0x18: {  	s0 =	sld [smem:$0x3F96];
	_ =	swait.ge [sflag:s4], $0x0  }
0x19: {  	s7 =	sld [smem:$0x3F97]  }
0x1a: {  	s8 =	sadd.s32 $0xFFFFE003, lr  }
0x1b: {  	s9 =	sadd.s32 $0xFFFFFEF7, lr;
	s5 =	simm.s32 $0xFFFFFFFF;
	p2 =	slt.u32 s8, $0xFFFFF086  }
0x1c: {  	p1 =	slt.u32 s9, $0xF7A;
	s5 =	simm.s32 @!p2 $0x0  }
0x1d: {  	s5 =	simm.s32 @p1 $0x1;
	p0 =	seq.s32 s7, s2  }
0x1e: {  	s7 =	smul.u32 @!p0 $0xF7A, s2;
	p2 =	seq.s32 @!p0 s5, $0x0  }
0x1f: {  	s9 =	smul.u32 $0xF7A, s1;
	s8 =	simm.s32 @!p0 $0x1BF5;
	p2 =	por !p2, p0  }
0x20: {  	[sflag:s8] =	ssyncset.s32 @!p0 $0xFFFFF086;
	s6 =	sadd.s32 @!p0 s3, s7;
	s7 =	simm.s32 @!p0 $0x108  }
0x21: {  	s3 =	sadd.s32 s3, s9;
	s6 =	sadd.s32 @!p0 $0x88, s6;
	s7 =	simm.s32 @p2 $0x1082  }
0x22: {  	[simem:s7], [sflag:s8] =	dma.local @!p0 [hbm:s6], $0xF7A  }
0x23: {  	s9 =	sor.u32 $0xD0000000, s2;
	s6 =	simm.s32 $0x108;
	_ =	swait.ge @!p0 [sflag:s8], $0x0  }
0x24: {  	s3 =	sadd.s32 $0x88, s3;
	s6 =	simm.s32 @!p1 $0x1082;
	[sflag:s4] =	ssyncset.s32 $0xFFFFF086  }
0x25: {  	[simem:s6], [sflag:s4] =	dma.local [hbm:s3], $0xF7A  }
0x26: {  	[smem:$0x3F97] =	sst s1;
	(tag) =	ssettag s2;
	_ =	strace s9  }
0x27: {  	s1 =	sld [smem:$0x3FA7]  }
0x28: {  	s2 =	sld [smem:$0x3FA8]  }
0x29: {  	s4 =	sld [smem:$0x3FAA]  }
0x2a: {  	p0 =	seq.s32 s5, $0x0;
	s5 =	sld [smem:$0x3FAB]  }
0x2b: {  	s6 =	sld [smem:$0x3FAC]  }
0x2c: {  	s7 =	sld [smem:$0x3FAD]  }
0x2d: {  	s3 =	simm.s32 $0x108;
	s8 =	sld [smem:$0x3FAE]  }
0x2e: {  	s3 =	simm.s32 @!p0 $0x1082;
	s9 =	sld [smem:$0x3FAF]  }
0x2f: {  	lr =	sadd.s32 s0, s3;
	s0 =	sld [smem:$0x3FA6]  }
0x30: {  	s3 =	sld [smem:$0x3FA9]  }
0x31: {  	[smem:$0x3FB2] =	sst s10  }
0x32: {  	s10 =	sld [smem:$0x3FB0];
	_ =	sdelay $0x3  }
0x33: {  	p0 =	seq.s32 s10, $0x1;
	s10 =	sld [smem:$0x3FB2];
	_ =	sdelay $0x3  }
0x34: {  	[smem:$0x3FB2] =	sst s10  }
0x35: {  	s10 =	sld [smem:$0x3FB1];
	_ =	sdelay $0x3  }
0x36: {  	p1 =	seq.s32 s10, $0x1;
	s10 =	sld [smem:$0x3FB2];
	_ =	sdelay $0x3  }
0x37: {  	[smem:$0x3FB2] =	sst s10  }
0x38: {  	s10 =	sld [smem:$0x3FB3]  }
0x39: {  	_ = 	snop;
	(pc) =	sbr.ind lr, $3  }
0x3a: {  	_ = 	snop  }
0x3b: {  	_ = 	snop  }
0x3c: {  	p2 =	seq.s32 s10, $0x1;
	s10 =	sld [smem:$0x3FB2]  }
0x3d: {  	_ =	shalt  }
0x3e: {  	_ =	shalt  }
0x3f: {  	_ =	shalt  }
0x40: {  	_ =	shalt  }
0x41: {  	_ =	shalt  }
0x42: {  	_ =	shalt  }
0x43: {  	_ =	shalt  }
0x44: {  	_ =	shalt  }
0x45: {  	_ =	shalt  }
0x46: {  	_ =	shalt  }
0x47: {  	_ =	shalt  }
0x48: {  	_ =	shalt  }
0x49: {  	_ =	shalt  }
0x4a: {  	_ =	shalt  }
0x4b: {  	_ =	shalt  }
0x4c: {  	_ =	shalt  }
0x4d: {  	_ =	shalt  }
0x4e: {  	_ =	shalt  }
0x4f: {  	_ =	shalt  }
0x50: {  	_ =	shalt  }
0x51: {  	_ =	shalt  }
0x52: {  	_ =	shalt  }
0x53: {  	_ =	shalt  }
0x54: {  	_ =	shalt  }
0x55: {  	_ =	shalt  }
0x56: {  	_ =	shalt  }
0x57: {  	_ =	shalt  }
0x58: {  	_ =	shalt  }
0x59: {  	_ =	shalt  }
0x5a: {  	_ =	shalt  }
0x5b: {  	_ =	shalt  }
0x5c: {  	_ =	shalt  }
0x5d: {  	_ =	shalt  }
0x5e: {  	_ =	shalt  }
0x5f: {  	_ =	shalt  }
0x60: {  	_ =	shalt  }
0x61: {  	_ =	shalt  }
0x62: {  	_ =	shalt  }
0x63: {  	_ =	shalt  }
0x64: {  	_ =	shalt  }
0x65: {  	_ =	shalt  }
0x66: {  	_ =	shalt  }
0x67: {  	_ =	shalt  }
0x68: {  	_ =	shalt  }
0x69: {  	_ =	shalt  }
0x6a: {  	_ =	shalt  }
0x6b: {  	_ =	shalt  }
0x6c: {  	_ =	shalt  }
0x6d: {  	_ =	shalt  }
0x6e: {  	_ =	shalt  }
0x6f: {  	_ =	shalt  }
0x70: {  	_ =	shalt  }
0x71: {  	_ =	shalt  }
0x72: {  	_ =	shalt  }
0x73: {  	_ =	shalt  }
0x74: {  	_ =	shalt  }
0x75: {  	_ =	shalt  }
0x76: {  	_ =	shalt  }
0x77: {  	_ =	shalt  }
0x78: {  	_ =	shalt  }
0x79: {  	_ =	shalt  }
0x7a: {  	_ =	shalt  }
0x7b: {  	_ =	shalt  }
0x7c: {  	_ =	shalt  }
0x7d: {  	_ =	shalt  }
0x7e: {  	_ =	shalt  }
0x7f: {  	_ =	shalt  }
0x80: {  	_ =	shalt  }
0x81: {  	_ =	shalt  }
0x82: {  	_ =	shalt  }
0x83: {  	_ =	shalt  }
0x84: {  	_ =	shalt  }
0x85: {  	_ =	shalt  }
0x86: {  	_ =	shalt  }
0x87: {  	_ =	shalt  }
.Lfunc_end0:
.L_simem_size_0:
called_computation_lowered:
.L_overlay_start_0:
0x88: {  	s2 =	sld [smem:$0x3FD9]  }
0x89: {  	s3 =	sld [smem:$0x3FFE];
	_ =	sdelay $0x1  }
0x8a: {  	s1 =	srdreg.scid  }
0x8b: {  	s0 =	sand.u32 $0x1, s1  }
0x8c: {  	s17 =	sshll.u32 s0, $0xA;
	s2 =	sadd.s32 s3, s2  }
0x8d: {  	s2 =	sadd.s32 s2, s17  }
0x8e: {  	[smem:$0x3FBE] =	sst s2  }
0x8f: {  	_ = 	snop  }
0x90: {  	s2 =	sld [smem:$0x3FD0];
	(tm) =	ssettm $0x1  }
0x91: {  	s18 =	sld [smem:$0x3FFB];
	_ =	sdelay $0x3  }
0x92: {  	_ =	strace s18  }
0x93: {  	s3 =	sld [smem:$0x3FFC];
	_ =	sdelay $0x3  }
0x94: {  	_ =	strace s3  }
0x95: {  	s3 =	sld [smem:$0x3FFD];
	_ =	sdelay $0x3  }
0x96: {  	_ =	strace s3  }
0x97: {  	_ =	strace $0x8FFFFFFF  }
0x98: {  	s19 =	sld [smem:$0x3FDB];
	_ =	sdelay $0x1  }
0x99: {  	s4 =	simm.s32 $_scs_section_size  }
0x9a: {  	s5 =	simm.s32 $_size__tile_overlayer_lowered;
	s6 =	simm.s32 $_tile_overlayer_lowered  }
0x9b: {  	s22 =	simm.s32 $0x1BFF;
	s21 =	sshll.u32 s6, $0x1;
	s3 =	sadd.s32 s4, s19  }
0x9c: {  	s7 =	simm.s32 $0x0;
	s20 =	sshll.u32 s5, $0x1;
	s5 =	sadd.s32 s21, s3  }
0x9d: {  	[timem:s7], [sflag:s22] =	dma.local [hbm:s5], s20  }
0x9e: {  	_ =	swait.ge [sflag:s22], s20  }
0x9f: {  	s4 =	ssub.s32 $0x0, s20;
	[sflag:s22] =	ssyncset.done $0x0  }
0xa0: {  	[sflag:s22] =	ssyncadd.s32 s4;
	_ =	sdelay $0x1  }
0xa1: {  	s23 =	simm.s32 $0x1B8B  }
0xa2: {  	_ =	swait.ge [sflag:s23], $0x1  }
0xa3: {  	[sflag:s23] =	ssyncset.done $0x0  }
0xa4: {  	s25 =	simm.s32 $0x1B8E;
	s24 =	sld [smem:$0x3FFE];
	[sflag:s23] =	ssyncadd.s32 $0xFFFFFFFF  }
0xa5: {  	s26 =	simm.s32 $execute0_lowered;
	[smem:$0x3FD2] =	sst s25  }
0xa6: {  	s5 =	sshll.u32 s26, $0x1;
	_ =	strace $0x80000046;
	[dreg:$0x1] =	wrdreg $0xFFFFFFFF  }
0xa7: {  	s28 =	simm.s32 $_size_execute0_lowered;
	s3 =	sadd.s32 s3, s5;
	[dreg:$0x0] =	wrdreg $0x0  }
0xa8: {  	s5 =	sshll.u32 s28, $0x1;
	[dreg:$0x2] =	wrdreg s3  }
0xa9: {  	[dreg:$0x3] =	wrdreg s5  }
0xaa: {  	[dreg:$0x4] =	wrdreg $0xC0  }
0xab: {  	_ =	task [dreg:s7], $0x5FFFF  }
0xac: {  	[dreg:$0x1] =	wrdreg $0xFFFFFFFF  }
0xad: {  	[dreg:$0x0] =	wrdreg $0x60  }
0xae: {  	[dreg:$0x2] =	wrdreg s24  }
0xaf: {  	[dreg:$0x3] =	wrdreg s2  }
0xb0: {  	[dreg:$0x4] =	wrdreg $0x70000  }
0xb1: {  	[dreg:$0x5] =	wrdreg $0x9  }
0xb2: {  	_ =	task.clear_ibuf [dreg:s7], $0x6FFFF;
	_ =	strace $0x90000046  }
0xb3: {  	s29 =	simm.s32 $0x9;
	_ =	strace $0x80000048  }
0xb4: {  	_ =	swait.ge [sflag:s29], $0x1  }
0xb5: {  	[sflag:s29] =	ssyncadd.s32 $0xFFFFFFFF  }
0xb6: {  	_ =	strace $0x90000048  }
0xb7: {  	_ =	sfence  }
0xb8: {  	s30 =	sld [smem:$0x0];
	_ =	sdelay $0x2  }
0xb9: {  	s31 =	sshll.u32 s1, $0xD;
	s1 =	sshrl.u32 s1, $0x2  }
0xba: {  	s3 =	sand.u32 $0x4000, s31;
	s1 =	sadd.s32 s1, s30  }
0xbb: {  	s0 =	sor.u32 s3, s0;
	s1 =	sshll.u32 s1, $0x11  }
0xbc: {  	s0 =	sor.u32 s1, s0  }
0xbd: {  	s0 =	sadd.s32 $0x8F2B, s0  }
0xbe: {  	[sflag:s0] =	ssyncadd.remote.s32 $0x1  }
0xbf: {  	_ =	sfence.sel $0xFFFF  }
0xc0: {  	[dreg:$0x0] =	wrdreg $0xFFFFFFFF;
	(pc) =	sbr.abs _section_cstart, $3  }
0xc1: {  	[dreg:$0x1] =	wrdreg $0xFFFFFFFF  }
0xc2: {  	_ =	task.clear_ibuf [dreg:s7], $0x2FFFF;
	_ =	strace $0x9FFFFFFF  }
0xc3: {  	(tm) =	ssettm $0x7FFFFFFF  }
tec
execute0_lowered:
.L_overlay_start_1:
0x0: {  	(tag) =	ssettag $0x1  }
0x1: {  	s7 =	rddreg [dreg:$0x0]  }
0x2: {  	s0 =	srdreg.scid;
	s2 =	rddreg [dreg:$0x1]  }
0x3: {  	s3 =	rddreg [dreg:$0x2];
	s4 =	simm.s32 $0x0;
	s6 =	sand.u32 $0x1, s0  }
0x4: {  	s13 =	simm.s32 $0x40;
	s0 =	stileid.u32;
	s8 =	smul.u32 $0x140000, s6  }
0x5: {  	s14 =	simm.s32 $0x0;
	[smem:$0x7FF] =	sst s4;
	s9 =	smul.u32 $0x14000, s0  }
0x6: {  	s1 =	sshll.u32 s6, $0x4;
	s29 =	smul.u32 $0x50000, s0;
	s6 =	ssub.s32 $0x2, s6  }
0x7: {  	s31 =	sshll.u32 s0, $0x6;
	s1 =	sor.u32 s0, s1;
	s30 =	sshrl.u32 s6, $0x1  }
0x8: {  	s5 =	smul.u32 $0xA00, s1;
	s1 =	rddreg [dreg:$0x3];
	_ =	strace $0x80000047  }
0x9: {  	s8 =	sadd.s32 s9, s8;
	s9 =	sshrl.u32 s29, $0x2;
	s11 =	ssub.s32 s6, s30  }
0xa: {  	s6 =	sor.u32 $0x1C01, s31;
	s8 =	sshrl.u32 s8, $0x3;
	s12 =	sadd.s32 s9, s3  }
0xb: {  	s9 =	smax.u32 s11, $0x1;
	s11 =	simm.s32 $0x1;
	s10 =	sadd.s32 s5, s7  }
0xc: {  	s5 =	sadd.s32 $0x17000, s7;
	s8 =	sadd.s32 s8, s7;
	s7 =	sadd.s32 $0x3000, s10  }
0xd: {  	s8 =	sadd.s32 $0x17400, s8;
	s10 =	sshrl.u32 s12, $0x3;
	s12 =	simm.s32 $0x5000  }
.LBB2_1:
0xe: {  	[spmem:s10], [sflag:s6] =	dma.local [hbm:s2], $0x2800  }
0xf: {  	_ =	swait.ge [sflag:s11], $0x2800  }
0x10: {  	[sflag:s11] =	ssyncset.done $0x0  }
0x11: {  	[sflag:s11] =	ssyncadd.s32 $0xFFFFD800  }
0x12: {  	[tilespmem:s12], [sflag:$0x1] =	stream.linear.gather [hbm4b:s5+s4], $0x2000, $0x38;
	[tilespmem:$0x1B000] =	vst v63  }
0x13: {  	_ =	swait.ge [sflag:s11], $0x2000  }
0x14: {  	[sflag:s11] =	ssyncset.done $0x0  }
0x15: {  	[sflag:s11] =	ssyncadd.s32 $0xFFFFE000  }
0x16: {  	[tilespmem:s4], [sflag:$0x1] =	stream.linear.gather [hbm4b:s7+s4], $0x4F80, $0x38;
	[tilespmem:$0x1B000] =	vst v63  }
0x17: {  	_ =	swait.ge [sflag:s11], $0x4F80  }
0x18: {  	[sflag:s11] =	ssyncset.done $0x0  }
0x19: {  	[sflag:s11] =	ssyncadd.s32 $0xFFFFB080  }
0x1a: {  	s15 =	simm.s32 $0x40;
	[bflag:$0x0] =	sbarrier.arrive $0xFFFF  }
0x1b: {  	[spmem:s3] =	stream.indirect.scatter.add.f32 [tilespmem:s12], [sflag:$0x1], $0x80, s15, s13, $0xb8;
	[tilespmem:$0x1B000] =	vst v63  }
0x1c: {  	_ =	swait.ge [sflag:s11], $0x2000  }
0x1d: {  	s15 =	simm.s32 $0x300;
	[sflag:s11] =	ssyncset.done $0x0  }
.LBB2_2:
0x1e: {  	s16 =	sshra.s32 s15, $0x2;
	[sflag:s11] =	ssyncadd.s32 $0xFFFFE000;
	p0 =	sne.s32 s15, $0x13B00  }
0x1f: {  	[spmem:s3] =	stream.indirect.scatter.add.f32 [tilespmem:s12], [sflag:$0x1], $0x80, s16, s13, $0xb8;
	[tilespmem:$0x1B000] =	vst v63  }
.Ltmp0:
0x20: {  	_ = 	snop;
	(pc) =	sbr.rel @p0 .LBB2_2-.Ltmp0, $4  }
0x21: {  	_ = 	snop  }
0x22: {  	s15 =	sadd.s32 $0x200, s15  }
0x23: {  	_ =	swait.ge [sflag:s11], $0x2000  }
0x24: {  	[sflag:s11] =	ssyncset.done $0x0  }
0x25: {  	s14 =	sadd.s32 $0x1, s14  }
0x26: {  	[sflag:s11] =	ssyncadd.s32 $0xFFFFE000;
	p0 =	sne.s32 s14, s9  }
.Ltmp1:
0x27: {  	[bflag:$0x0] =	sbarrier.arrive $0xFFFF;
	(pc) =	sbr.rel @p0 .LBB2_1-.Ltmp1, $4  }
0x28: {  	[hbm:s8], [sflag:s6] =	dma.local [spmem:s10], $0x2800  }
0x29: {  	_ =	swait.ge [sflag:s11], $0x2800  }
0x2a: {  	[sflag:s11] =	ssyncset.done $0x0  }
0x2b: {  	[sflag:s11] =	ssyncadd.s32 $0xFFFFD800  }
0x2c: {  	_ =	sfence.sel $0x180000  }
0x2d: {  	[bflag:$0x0] =	sbarrier.arrive $0xFFFF  }
0x2e: {  	p0 =	sne.s32 s0, $0x0;
	_ =	strace $0x90000047  }
0x2f: {  	s0 =	sadd.s32 @!p0 $0x100000, s1;
	[bflag:$0x2] =	sbarrier.arrive $0xFFFF  }
0x30: {  	[sflag:s0] =	ssyncadd.tile.s32 @!p0 $0x1;
	_ =	shalt  }
.Lfunc_end2:
_tile_overlayer_lowered:
.L_overlay_start_2:
0x31: {  	(tag) =	ssettag $0x2  }
0x32: {  	s0 =	rddreg [dreg:$0x0];
	s2 =	stileid.u32  }
0x33: {  	s1 =	rddreg [dreg:$0x1];
	p0 =	sne.s32 s2, $0x0  }
0x34: {  	s3 =	rddreg [dreg:$0x2];
	[bflag:$0x3] =	sbarrier.arrive $0xFFFF;
	s2 =	simm.s32 @!p0 $0x1C01  }
0x35: {  	[timem:s3], [sflag:s2] =	dma.local @!p0 [hbm:s0], s1  }
0x36: {  	s0 =	simm.s32 @!p0 $0x1  }
0x37: {  	_ =	swait.ge @!p0 [sflag:s0], s1  }
0x38: {  	s1 =	ssub.s32 @!p0 $0x0, s1;
	[sflag:s0] =	ssyncset.done @!p0 $0x0  }
0x39: {  	[sflag:s0] =	ssyncadd.s32 @!p0 s1  }
0x3a: {  	[bflag:$0x3] =	sbarrier.arrive $0xFFFF  }
0x3b: {  	_ =	shalt  }

</sc_bundles>
